<compile_context>
chip_gen: v7x
topology: tpu7x:2x2x1
jax: 0.10.2.dev20260603
libtpu: 0.0.44.dev20260713+nightly
codegen_flags: <defaults>
</compile_context>

<pallas_src>
import functools

import jax
import jax.numpy as jnp
from jax import lax
from jax.experimental import pallas as pl
from jax.experimental.pallas import tpu as pltpu
from jax.experimental.pallas import tpu_sc as plsc

EPS = 1e-07
N_DATA = 100000
FEAT = 128
BATCH = 128
K = 1024
NCE_T = 0.07
NCE_M = 0.5
MPN = float(K) / float(N_DATA)

NC, NS = 2, 16
NW = NC * NS
NEG = BATCH * K
PER_TILE = NEG // NW
CH = 128
NCHUNK = PER_TILE // CH


def _gather_body(mem_s, mem_t, cidx, wsn, wtn,
                 idx_all, bs0, bs1, bt0, bt1,
                 gs0, gs1, gt0, gt1, ws0, ws1, wt0, wt1):
    wid = lax.axis_index("s") * NC + lax.axis_index("c")
    base = pl.multiple_of(wid * PER_TILE, PER_TILE)
    pltpu.sync_copy(cidx.at[pl.ds(base, PER_TILE)], idx_all)
    bufs = ((bs0, bt0, gs0, gt0, ws0, wt0), (bs1, bt1, gs1, gt1, ws1, wt1))

    def idx_slice(i):
        return idx_all.at[pl.ds(pl.multiple_of(i * CH, CH), CH)]

    for b in range(2):
        bs, bt, gs, gt, _, _ = bufs[b]
        pltpu.async_copy(mem_s.at[idx_slice(b)], bs, gs)
        pltpu.async_copy(mem_t.at[idx_slice(b)], bt, gt)

    def pair(i2, carry):
        for b in range(2):
            i = i2 * 2 + b
            bs, bt, gs, gt, ws, wt = bufs[b]
            off = pl.multiple_of(base + i * CH, CH)
            pltpu.make_async_copy(mem_s.at[idx_slice(i)], bs, gs).wait()
            pltpu.make_async_copy(mem_t.at[idx_slice(i)], bt, gt).wait()
            pltpu.async_copy(bs, wsn.at[pl.ds(off, CH)], ws)
            pltpu.async_copy(bt, wtn.at[pl.ds(off, CH)], wt)

            @pl.when(i + 2 < NCHUNK)
            def _():
                pltpu.make_async_copy(bs, wsn.at[pl.ds(off, CH)], ws).wait()
                pltpu.make_async_copy(bt, wtn.at[pl.ds(off, CH)], wt).wait()
                pltpu.async_copy(mem_s.at[idx_slice(i + 2)], bs, gs)
                pltpu.async_copy(mem_t.at[idx_slice(i + 2)], bt, gt)
        return carry

    lax.fori_loop(0, NCHUNK // 2, pair, 0)

    for b in range(2):
        bs, bt, _, _, ws, wt = bufs[b]
        i = NCHUNK - 2 + b
        off = pl.multiple_of(base + i * CH, CH)
        pltpu.make_async_copy(bs, wsn.at[pl.ds(off, CH)], ws).wait()
        pltpu.make_async_copy(bt, wtn.at[pl.ds(off, CH)], wt).wait()


def _gather_pos_body(mem_s, mem_t, pidx, wsp, wtp,
                     idx_v, buf_s, buf_t, sem_s, sem_t):
    wid = lax.axis_index("s") * NC + lax.axis_index("c")

    @pl.when(wid == 0)
    def _():
        pltpu.sync_copy(pidx, idx_v)
        c1 = pltpu.async_copy(mem_s.at[idx_v], buf_s, sem_s)
        c2 = pltpu.async_copy(mem_t.at[idx_v], buf_t, sem_t)
        c1.wait()
        c2.wait()
        pltpu.sync_copy(buf_s, wsp)
        pltpu.sync_copy(buf_t, wtp)


def _sc_mesh():
    return plsc.VectorSubcoreMesh(
        core_axis_name="c", subcore_axis_name="s",
        num_cores=NC, num_subcores=NS)


@functools.cache
def _make_gather():
    return pl.kernel(
        _gather_body,
        out_type=(
            jax.ShapeDtypeStruct((NEG, FEAT), jnp.float32),
            jax.ShapeDtypeStruct((NEG, FEAT), jnp.float32),
        ),
        mesh=_sc_mesh(),
        scratch_types=[pltpu.VMEM((PER_TILE,), jnp.int32)]
        + [pltpu.VMEM((CH, FEAT), jnp.float32)] * 4
        + [pltpu.SemaphoreType.DMA] * 8,
    )


@functools.cache
def _make_gather_pos():
    return pl.kernel(
        _gather_pos_body,
        out_type=(
            jax.ShapeDtypeStruct((BATCH, FEAT), jnp.float32),
            jax.ShapeDtypeStruct((BATCH, FEAT), jnp.float32),
        ),
        mesh=_sc_mesh(),
        scratch_types=[
            pltpu.VMEM((BATCH,), jnp.int32),
            pltpu.VMEM((BATCH, FEAT), jnp.float32),
            pltpu.VMEM((BATCH, FEAT), jnp.float32),
            pltpu.SemaphoreType.DMA,
            pltpu.SemaphoreType.DMA,
        ],
    )

_DN = (((1,), (1,)), ((), ()))


def _l2rows(x):
    return x * lax.rsqrt(jnp.sum(x * x, axis=-1, keepdims=True))


def _c1_body(f_s, f_t, W_s, b_s, W_t, b_t, wsp, wtp, W_mt, b_mt, idx2,
             h_s_o, h_t_o, upd_s_o, upd_t_o, s1_o):
    hs = _l2rows(lax.dot_general(f_s[...], W_s[...], _DN,
                                 preferred_element_type=jnp.float32) + b_s[...])
    ht = _l2rows(lax.dot_general(f_t[...], W_t[...], _DN,
                                 preferred_element_type=jnp.float32) + b_t[...])
    h_s_o[...] = hs
    h_t_o[...] = ht
    et0 = _l2rows(lax.dot_general(ht * wsp[...], W_mt[...], _DN,
                                  preferred_element_type=jnp.float32) + b_mt[...])
    es0 = _l2rows(lax.dot_general(hs * wtp[...], W_mt[...], _DN,
                                  preferred_element_type=jnp.float32) + b_mt[...])
    p = jnp.exp(jnp.sum(et0 * es0, axis=1) / NCE_T) / float(N_DATA)
    s1_o[0, 0] = jnp.sum(jnp.log(p / (p + MPN + EPS)))
    upd_s = _l2rows(NCE_M * wsp[...] + (1.0 - NCE_M) * hs)
    upd_t = _l2rows(NCE_M * wtp[...] + (1.0 - NCE_M) * ht)
    iv = idx2[0, :]
    eq = iv[:, None] == iv[None, :]
    bi = lax.broadcasted_iota(jnp.int32, (BATCH, BATCH), 1)
    win = jnp.max(jnp.where(eq, bi, -1), axis=1)
    oh = (bi == win[:, None]).astype(jnp.float32)
    pick = (((1,), (0,)), ((), ()))
    upd_s_o[...] = lax.dot_general(oh, upd_s, pick,
                                   precision=lax.Precision.HIGHEST,
                                   preferred_element_type=jnp.float32)
    upd_t_o[...] = lax.dot_general(oh, upd_t, pick,
                                   precision=lax.Precision.HIGHEST,
                                   preferred_element_type=jnp.float32)


_c1 = pl.pallas_call(
    _c1_body,
    out_shape=(
        jax.ShapeDtypeStruct((BATCH, FEAT), jnp.float32),
        jax.ShapeDtypeStruct((BATCH, FEAT), jnp.float32),
        jax.ShapeDtypeStruct((BATCH, FEAT), jnp.float32),
        jax.ShapeDtypeStruct((BATCH, FEAT), jnp.float32),
        jax.ShapeDtypeStruct((1, 1), jnp.float32),
    ),
    out_specs=(
        pl.BlockSpec((BATCH, FEAT), lambda: (0, 0)),
        pl.BlockSpec((BATCH, FEAT), lambda: (0, 0)),
        pl.BlockSpec((BATCH, FEAT), lambda: (0, 0)),
        pl.BlockSpec((BATCH, FEAT), lambda: (0, 0)),
        pl.BlockSpec((1, 1), lambda: (0, 0), memory_space=pltpu.SMEM),
    ),
)


NSLAB = 125
SLAB = N_DATA // NSLAB


def _c2_body(wsn, wtn, hs, ht, W_mt, b_mt, mt_in, ms_in,
             s0_o, mt_out, ms_out):
    i = pl.program_id(0)
    zt = lax.dot_general(wsn[0] * ht[0], W_mt[...], _DN,
                         preferred_element_type=jnp.float32) + b_mt[...]
    zs = lax.dot_general(wtn[0] * hs[0], W_mt[...], _DN,
                         preferred_element_type=jnp.float32) + b_mt[...]
    dot = jnp.sum(zt * zs, axis=1)
    nt = jnp.sum(zt * zt, axis=1)
    ns = jnp.sum(zs * zs, axis=1)
    s = dot * lax.rsqrt(nt * ns)
    p = jnp.exp(s / NCE_T) / float(N_DATA)
    part = jnp.sum(jnp.log(MPN / (p + MPN + EPS)))

    @pl.when(i == 0)
    def _():
        s0_o[0, 0] = 0.0

    s0_o[0, 0] += part
    mt_out[...] = mt_in[...]
    ms_out[...] = ms_in[...]


def _slab_map(i):
    j = jnp.minimum(i, NSLAB - 1)
    return (j, 0, 0)


_c2 = pl.pallas_call(
    _c2_body,
    grid=(BATCH,),
    in_specs=[
        pl.BlockSpec((1, K, FEAT), lambda i: (i, 0, 0)),
        pl.BlockSpec((1, K, FEAT), lambda i: (i, 0, 0)),
        pl.BlockSpec((1, 1, FEAT), lambda i: (i, 0, 0)),
        pl.BlockSpec((1, 1, FEAT), lambda i: (i, 0, 0)),
        pl.BlockSpec((FEAT, FEAT), lambda i: (0, 0)),
        pl.BlockSpec((1, FEAT), lambda i: (0, 0)),
        pl.BlockSpec((1, SLAB, FEAT), _slab_map),
        pl.BlockSpec((1, SLAB, FEAT), _slab_map),
    ],
    out_specs=(
        pl.BlockSpec((1, 1), lambda i: (0, 0), memory_space=pltpu.SMEM),
        pl.BlockSpec((1, SLAB, FEAT), _slab_map),
        pl.BlockSpec((1, SLAB, FEAT), _slab_map),
    ),
    out_shape=(
        jax.ShapeDtypeStruct((1, 1), jnp.float32),
        jax.ShapeDtypeStruct((NSLAB, SLAB, FEAT), jnp.float32),
        jax.ShapeDtypeStruct((NSLAB, SLAB, FEAT), jnp.float32),
    ),
)


def _scat_body(idx_ref, upd_t, upd_s, mtc, msc, out_t, out_s, sem):
    def fire(b, carry):
        r = idx_ref[b]
        pltpu.async_copy(upd_t.at[b], out_t.at[r], sem)
        pltpu.async_copy(upd_s.at[b], out_s.at[r], sem)
        return carry

    lax.fori_loop(0, BATCH, fire, 0)

    def drain(b, carry):
        pltpu.make_async_copy(upd_t.at[0], out_t.at[0], sem).wait()
        pltpu.make_async_copy(upd_s.at[0], out_s.at[0], sem).wait()
        return carry

    lax.fori_loop(0, BATCH, drain, 0)


def _scatter2(mtc, msc, idx, upd_t, upd_s):
    grid_spec = pltpu.PrefetchScalarGridSpec(
        num_scalar_prefetch=1,
        grid=(1,),
        in_specs=[
            pl.BlockSpec((BATCH, FEAT), lambda i, idx: (0, 0)),
            pl.BlockSpec((BATCH, FEAT), lambda i, idx: (0, 0)),
            pl.BlockSpec(memory_space=pl.ANY),
            pl.BlockSpec(memory_space=pl.ANY),
        ],
        out_specs=(
            pl.BlockSpec(memory_space=pl.ANY),
            pl.BlockSpec(memory_space=pl.ANY),
        ),
        scratch_shapes=[pltpu.SemaphoreType.DMA],
    )
    return pl.pallas_call(
        _scat_body,
        grid_spec=grid_spec,
        out_shape=(
            jax.ShapeDtypeStruct((N_DATA, FEAT), jnp.float32),
            jax.ShapeDtypeStruct((N_DATA, FEAT), jnp.float32),
        ),
        input_output_aliases={3: 0, 4: 1},
    )(idx, upd_t, upd_s, mtc, msc)


def kernel(f_s, f_t, idx, contrast_idx, W_s, b_s, W_t, b_t,
           memory_s, memory_t, W_mt, b_mt):
    cidx = contrast_idx.reshape(NEG)
    wsp, wtp = _make_gather_pos()(memory_s, memory_t, idx)
    wsn, wtn = _make_gather()(memory_s, memory_t, cidx)
    b_s2 = b_s.reshape(1, FEAT)
    b_t2 = b_t.reshape(1, FEAT)
    b_mt2 = b_mt.reshape(1, FEAT)
    hs, ht, upd_s, upd_t, s1 = _c1(f_s, f_t, W_s, b_s2, W_t, b_t2,
                                   wsp, wtp, W_mt, b_mt2,
                                   idx.reshape(1, BATCH))
    s0, mt_copy, ms_copy = _c2(
        wsn.reshape(BATCH, K, FEAT), wtn.reshape(BATCH, K, FEAT),
        hs.reshape(BATCH, 1, FEAT), ht.reshape(BATCH, 1, FEAT),
        W_mt, b_mt2,
        memory_t.reshape(NSLAB, SLAB, FEAT), memory_s.reshape(NSLAB, SLAB, FEAT))
    loss = (-(s1[0, 0] + s0[0, 0]) / BATCH).reshape(1)
    new_mt, new_ms = _scatter2(mt_copy.reshape(N_DATA, FEAT),
                               ms_copy.reshape(N_DATA, FEAT),
                               idx, upd_t, upd_s)
    return loss, new_mt, new_ms

# --- scband reference (transcript-rebuilt; emitter-appended) ---
"""Pipeline reference for scband-crcdloss-21801253995004 (READ-ONLY COPY).

The authoritative reference and input builder live on the scoring server;
editing this copy changes nothing except your own understanding.
"""

import jax, jax.numpy as jnp
import numpy as np

EPS = 1e-07
N_DATA = 100000
FEAT_DIM = 128
S_DIM = 256
T_DIM = 256
BATCH = 128
NCE_K = 1024
NCE_T = 0.07
NCE_M = 0.5


def _l2norm(x):
    norm = jnp.power(jnp.sum(jnp.power(x, 2.0), axis=-1, keepdims=True), 0.5)
    return x / norm


def setup_inputs(seed: int = 0):
    key = jax.random.key(seed)
    ks = jax.random.split(key, 12)
    stdv = 1.0 / np.sqrt(FEAT_DIM / 3.0)
    return {
        "f_s": jax.random.normal(ks[0], (BATCH, S_DIM), dtype=jnp.float32),
        "f_t": jax.random.normal(ks[1], (BATCH, T_DIM), dtype=jnp.float32),
        "idx": jax.random.randint(ks[2], (BATCH,), 0, N_DATA, dtype=jnp.int32),
        "contrast_idx": jax.random.randint(ks[3], (BATCH, NCE_K), 0, N_DATA, dtype=jnp.int32),
        "W_s": jax.random.normal(ks[4], (FEAT_DIM, S_DIM), dtype=jnp.float32) / np.sqrt(S_DIM),
        "b_s": jnp.zeros((FEAT_DIM,), dtype=jnp.float32),
        "W_t": jax.random.normal(ks[5], (FEAT_DIM, T_DIM), dtype=jnp.float32) / np.sqrt(T_DIM),
        "b_t": jnp.zeros((FEAT_DIM,), dtype=jnp.float32),
        "memory_s": jax.random.uniform(ks[6], (N_DATA, FEAT_DIM), dtype=jnp.float32, minval=-stdv, maxval=stdv),
        "memory_t": jax.random.uniform(ks[7], (N_DATA, FEAT_DIM), dtype=jnp.float32, minval=-stdv, maxval=stdv),
        "W_mt": jax.random.normal(ks[8], (FEAT_DIM, FEAT_DIM), dtype=jnp.float32) / np.sqrt(FEAT_DIM),
        "b_mt": jnp.zeros((FEAT_DIM,), dtype=jnp.float32),
    }


def reference(f_s, f_t, idx, contrast_idx, W_s, b_s, W_t, b_t, memory_s, memory_t, W_mt, b_mt):
    n_data = memory_t.shape[0]
    # RelationMemory: project student/teacher features into feat_dim and l2-normalize
    h_s = _l2norm(jnp.dot(f_s, W_s.T) + b_s)
    h_t = _l2norm(jnp.dot(f_t, W_t.T) + b_t)
    # gather positive + K negative rows from both memory banks
    all_idx = jnp.concatenate([idx[:, None], contrast_idx], axis=1)  # [B, K+1]
    w_s = jnp.take(memory_s, all_idx, axis=0)  # [B, K+1, D]
    w_t = jnp.take(memory_t, all_idx, axis=0)  # [B, K+1, D]
    # relation tensors: teacher anchor vs student memory, student anchor vs teacher memory
    out_m_t = h_t[:, None, :] * w_s      # [B, K+1, D]
    out_m_t_s = h_s[:, None, :] * w_t    # [B, K+1, D]
    # Embed (note: original torch code applies self.embed_m_t to BOTH branches)
    e_t = _l2norm(jnp.einsum('bkd,ed->bke', out_m_t, W_mt) + b_mt)
    e_s = _l2norm(jnp.einsum('bkd,ed->bke', out_m_t_s, W_mt) + b_mt)
    # Contrast: exp(dot / T) / Z
    outs = jnp.exp(jnp.sum(e_t * e_s, axis=2) / NCE_T) / float(n_data)  # [B, K+1]
    # ContrastLoss (Eq 18)
    x = outs[:, :, None]
    bsz = x.shape[0]
    m = x.shape[1] - 1
    Pn = 1.0 / float(n_data)
    P_pos = x[:, 0]
    log_D1 = jnp.log(P_pos / (P_pos + m * Pn + EPS))
    P_neg = x[:, 1:]
    log_D0 = jnp.log((m * Pn) / (P_neg + m * Pn + EPS))
    loss = -(jnp.sum(log_D1, axis=0) + jnp.sum(log_D0.reshape(-1, 1), axis=0)) / bsz
    # momentum memory update: scatter-overwrite of the positive rows
    upd_t = _l2norm(NCE_M * jnp.take(memory_t, idx, axis=0) + (1.0 - NCE_M) * h_t)
    upd_s = _l2norm(NCE_M * jnp.take(memory_s, idx, axis=0) + (1.0 - NCE_M) * h_s)
    new_memory_t = memory_t.at[idx].set(upd_t)
    new_memory_s = memory_s.at[idx].set(upd_s)
    return loss, new_memory_t, new_memory_s

if __name__ == "__main__":
    import jax
    _d = setup_inputs()
    print(jax.jit(kernel)(*tuple(_d.values())))

</pallas_src>

<mosaic_0001>
#map = affine_map<(d0, d1) -> (0, 0)>
#map1 = affine_map<(d0, d1) -> (0)>
module attributes {stable_mosaic.version = 14 : i64} {
  func.func @_gather_body(%arg0: i32, %arg1: i32, %arg2: memref<100000x128xf32, #tpu.memory_space<hbm>>, %arg3: memref<100000x128xf32, #tpu.memory_space<hbm>>, %arg4: memref<131072xi32, #tpu.memory_space<hbm>>, %arg5: memref<131072x128xf32, #tpu.memory_space<hbm>>, %arg6: memref<131072x128xf32, #tpu.memory_space<hbm>>, %arg7: memref<4096xi32, #tpu.memory_space<vmem>>, %arg8: memref<128x128xf32, #tpu.memory_space<vmem>>, %arg9: memref<128x128xf32, #tpu.memory_space<vmem>>, %arg10: memref<128x128xf32, #tpu.memory_space<vmem>>, %arg11: memref<128x128xf32, #tpu.memory_space<vmem>>, %arg12: memref<!tpu.dma_semaphore, #tpu.memory_space<semaphore_mem>>, %arg13: memref<!tpu.dma_semaphore, #tpu.memory_space<semaphore_mem>>, %arg14: memref<!tpu.dma_semaphore, #tpu.memory_space<semaphore_mem>>, %arg15: memref<!tpu.dma_semaphore, #tpu.memory_space<semaphore_mem>>, %arg16: memref<!tpu.dma_semaphore, #tpu.memory_space<semaphore_mem>>, %arg17: memref<!tpu.dma_semaphore, #tpu.memory_space<semaphore_mem>>, %arg18: memref<!tpu.dma_semaphore, #tpu.memory_space<semaphore_mem>>, %arg19: memref<!tpu.dma_semaphore, #tpu.memory_space<semaphore_mem>>) attributes {dimension_semantics = [#tpu.dimension_semantics<core_parallel>, #tpu.dimension_semantics<subcore_parallel>], iteration_bounds = array<i64: 2, 16>, scalar_prefetch = 0 : i64, scratch_operands = 13 : i64, tpu.core_type = #tpu.core_type<sc_vector_subcore>, window_params = [{transform_indices = #map}, {transform_indices = #map}, {transform_indices = #map1}, {transform_indices = #map}, {transform_indices = #map}]} {
    %mul3A = arith.constant 2 : i32
    %mul3A_0 = arith.muli %arg1, %mul3A : i32
    %add3A = arith.addi %mul3A_0, %arg0 : i32
    %mul3A_1 = arith.constant 4096 : i32
    %mul3A_2 = arith.muli %add3A, %mul3A_1 : i32
    %multiple_of3A = tpu.assume_multiple %mul3A_2, 4096 : i32
    "tpu.region"() ({
      %run_scoped3A = tpu.sem_alloc : memref<!tpu.dma_semaphore, #tpu.memory_space<semaphore_mem>>
      %dma_start3A_52 = tpu.memref_slice %arg4[%multiple_of3A] : memref<131072xi32, #tpu.memory_space<hbm>> -> memref<4096xi32, #tpu.memory_space<hbm>>
      %dma_start3A_53 = tpu.memref_slice %arg4[%multiple_of3A] : memref<131072xi32, #tpu.memory_space<hbm>> -> memref<4096xi32, #tpu.memory_space<hbm>>
      tpu.enqueue_dma source(%dma_start3A_53 : memref<4096xi32, #tpu.memory_space<hbm>>) target(%arg7 : memref<4096xi32, #tpu.memory_space<vmem>>) target_semaphore(%run_scoped3A : memref<!tpu.dma_semaphore, #tpu.memory_space<semaphore_mem>>)
      %dma_wait3A_54 = tpu.memref_slice %arg4[%multiple_of3A] : memref<131072xi32, #tpu.memory_space<hbm>> -> memref<4096xi32, #tpu.memory_space<hbm>>
      %dma_wait3A_55 = tpu.memref_slice %arg4[%multiple_of3A] : memref<131072xi32, #tpu.memory_space<hbm>> -> memref<4096xi32, #tpu.memory_space<hbm>>
      tpu.wait_dma2 semaphore(%run_scoped3A : memref<!tpu.dma_semaphore, #tpu.memory_space<semaphore_mem>>) src(%dma_wait3A_55 : memref<4096xi32, #tpu.memory_space<hbm>>) dst(%arg7 : memref<4096xi32, #tpu.memory_space<vmem>>)
      tpu.yield
    }) : () -> ()
    %multiple_of3A_3 = arith.constant 0 : i32
    %multiple_of3A_4 = tpu.assume_multiple %multiple_of3A_3, 128 : i32
    %dma_start3A = tpu.memref_slice %arg7[%multiple_of3A_4] : memref<4096xi32, #tpu.memory_space<vmem>> -> memref<128xi32, #tpu.memory_space<vmem>>
    %dma_start3A_5 = arith.constant 0 : i32
    %dma_start3A_6 = arith.constant 0 : i32
    %dma_start3A_7 = tpu.memref_slice %arg2[%dma_start3A_5, %dma_start3A_6] : memref<100000x128xf32, #tpu.memory_space<hbm>> -> memref<100000x128xf32, #tpu.memory_space<hbm>>
    tpu.enqueue_indirect_dma source(%dma_start3A_7 : memref<100000x128xf32, #tpu.memory_space<hbm>>) target(%arg8 : memref<128x128xf32, #tpu.memory_space<vmem>>) offsets(%dma_start3A : memref<128xi32, #tpu.memory_space<vmem>>) semaphore(%arg12 : memref<!tpu.dma_semaphore, #tpu.memory_space<semaphore_mem>>)
    %multiple_of3A_8 = arith.constant 0 : i32
    %multiple_of3A_9 = tpu.assume_multiple %multiple_of3A_8, 128 : i32
    %dma_start3A_10 = tpu.memref_slice %arg7[%multiple_of3A_9] : memref<4096xi32, #tpu.memory_space<vmem>> -> memref<128xi32, #tpu.memory_space<vmem>>
    %dma_start3A_11 = arith.constant 0 : i32
    %dma_start3A_12 = arith.constant 0 : i32
    %dma_start3A_13 = tpu.memref_slice %arg3[%dma_start3A_11, %dma_start3A_12] : memref<100000x128xf32, #tpu.memory_space<hbm>> -> memref<100000x128xf32, #tpu.memory_space<hbm>>
    tpu.enqueue_indirect_dma source(%dma_start3A_13 : memref<100000x128xf32, #tpu.memory_space<hbm>>) target(%arg10 : memref<128x128xf32, #tpu.memory_space<vmem>>) offsets(%dma_start3A_10 : memref<128xi32, #tpu.memory_space<vmem>>) semaphore(%arg14 : memref<!tpu.dma_semaphore, #tpu.memory_space<semaphore_mem>>)
    %multiple_of3A_14 = arith.constant 128 : i32
    %multiple_of3A_15 = tpu.assume_multiple %multiple_of3A_14, 128 : i32
    %dma_start3A_16 = tpu.memref_slice %arg7[%multiple_of3A_15] : memref<4096xi32, #tpu.memory_space<vmem>> -> memref<128xi32, #tpu.memory_space<vmem>>
    %dma_start3A_17 = arith.constant 0 : i32
    %dma_start3A_18 = arith.constant 0 : i32
    %dma_start3A_19 = tpu.memref_slice %arg2[%dma_start3A_17, %dma_start3A_18] : memref<100000x128xf32, #tpu.memory_space<hbm>> -> memref<100000x128xf32, #tpu.memory_space<hbm>>
    tpu.enqueue_indirect_dma source(%dma_start3A_19 : memref<100000x128xf32, #tpu.memory_space<hbm>>) target(%arg9 : memref<128x128xf32, #tpu.memory_space<vmem>>) offsets(%dma_start3A_16 : memref<128xi32, #tpu.memory_space<vmem>>) semaphore(%arg13 : memref<!tpu.dma_semaphore, #tpu.memory_space<semaphore_mem>>)
    %multiple_of3A_20 = arith.constant 128 : i32
    %multiple_of3A_21 = tpu.assume_multiple %multiple_of3A_20, 128 : i32
    %dma_start3A_22 = tpu.memref_slice %arg7[%multiple_of3A_21] : memref<4096xi32, #tpu.memory_space<vmem>> -> memref<128xi32, #tpu.memory_space<vmem>>
    %dma_start3A_23 = arith.constant 0 : i32
    %dma_start3A_24 = arith.constant 0 : i32
    %dma_start3A_25 = tpu.memref_slice %arg3[%dma_start3A_23, %dma_start3A_24] : memref<100000x128xf32, #tpu.memory_space<hbm>> -> memref<100000x128xf32, #tpu.memory_space<hbm>>
    tpu.enqueue_indirect_dma source(%dma_start3A_25 : memref<100000x128xf32, #tpu.memory_space<hbm>>) target(%arg11 : memref<128x128xf32, #tpu.memory_space<vmem>>) offsets(%dma_start3A_22 : memref<128xi32, #tpu.memory_space<vmem>>) semaphore(%arg15 : memref<!tpu.dma_semaphore, #tpu.memory_space<semaphore_mem>>)
    %scan3A = arith.constant 0 : i32
    %scan3A_26 = arith.constant 0 : i32
    %scan3A_27 = arith.constant 16 : i32
    %scan3A_28 = arith.addi %scan3A_26, %scan3A_27 : i32
    %scan3A_29 = arith.constant 1 : i32
    scf.for %scan3A_52 = %scan3A_26 to %scan3A_28 step %scan3A_29  : i32 {
      %mul3A_53 = arith.constant 2 : i32
      %mul3A_54 = arith.muli %scan3A_52, %mul3A_53 : i32
      %add3A_55 = arith.constant 0 : i32
      %add3A_56 = arith.addi %mul3A_54, %add3A_55 : i32
      %mul3A_57 = arith.constant 128 : i32
      %mul3A_58 = arith.muli %add3A_56, %mul3A_57 : i32
      %add3A_59 = arith.addi %multiple_of3A, %mul3A_58 : i32
      %multiple_of3A_60 = tpu.assume_multiple %add3A_59, 128 : i32
      %mul3A_61 = arith.constant 128 : i32
      %mul3A_62 = arith.muli %add3A_56, %mul3A_61 : i32
      %multiple_of3A_63 = tpu.assume_multiple %mul3A_62, 128 : i32
      %dma_wait3A_64 = tpu.memref_slice %arg7[%multiple_of3A_63] : memref<4096xi32, #tpu.memory_space<vmem>> -> memref<128xi32, #tpu.memory_space<vmem>>
      %dma_wait3A_65 = arith.constant 0 : i32
      %dma_wait3A_66 = arith.constant 0 : i32
      %dma_wait3A_67 = tpu.memref_slice %arg2[%dma_wait3A_65, %dma_wait3A_66] : memref<100000x128xf32, #tpu.memory_space<hbm>> -> memref<100000x128xf32, #tpu.memory_space<hbm>>
      tpu.wait_indirect_dma semaphore(%arg12 : memref<!tpu.dma_semaphore, #tpu.memory_space<semaphore_mem>>) src(%dma_wait3A_67 : memref<100000x128xf32, #tpu.memory_space<hbm>>) dst(%arg8 : memref<128x128xf32, #tpu.memory_space<vmem>>)
      %mul3A_68 = arith.constant 128 : i32
      %mul3A_69 = arith.muli %add3A_56, %mul3A_68 : i32
      %multiple_of3A_70 = tpu.assume_multiple %mul3A_69, 128 : i32
      %dma_wait3A_71 = tpu.memref_slice %arg7[%multiple_of3A_70] : memref<4096xi32, #tpu.memory_space<vmem>> -> memref<128xi32, #tpu.memory_space<vmem>>
      %dma_wait3A_72 = arith.constant 0 : i32
      %dma_wait3A_73 = arith.constant 0 : i32
      %dma_wait3A_74 = tpu.memref_slice %arg3[%dma_wait3A_72, %dma_wait3A_73] : memref<100000x128xf32, #tpu.memory_space<hbm>> -> memref<100000x128xf32, #tpu.memory_space<hbm>>
      tpu.wait_indirect_dma semaphore(%arg14 : memref<!tpu.dma_semaphore, #tpu.memory_space<semaphore_mem>>) src(%dma_wait3A_74 : memref<100000x128xf32, #tpu.memory_space<hbm>>) dst(%arg10 : memref<128x128xf32, #tpu.memory_space<vmem>>)
      %dma_start3A_75 = arith.constant 0 : i32
      %dma_start3A_76 = tpu.memref_slice %arg5[%multiple_of3A_60, %dma_start3A_75] : memref<131072x128xf32, #tpu.memory_space<hbm>> -> memref<128x128xf32, #tpu.memory_space<hbm>>
      %dma_start3A_77 = arith.constant 0 : i32
      %dma_start3A_78 = tpu.memref_slice %arg5[%multiple_of3A_60, %dma_start3A_77] : memref<131072x128xf32, #tpu.memory_space<hbm>> -> memref<128x128xf32, #tpu.memory_space<hbm>>
      tpu.enqueue_dma source(%arg8 : memref<128x128xf32, #tpu.memory_space<vmem>>) target(%dma_start3A_78 : memref<128x128xf32, #tpu.memory_space<hbm>>) target_semaphore(%arg16 : memref<!tpu.dma_semaphore, #tpu.memory_space<semaphore_mem>>)
      %dma_start3A_79 = arith.constant 0 : i32
      %dma_start3A_80 = tpu.memref_slice %arg6[%multiple_of3A_60, %dma_start3A_79] : memref<131072x128xf32, #tpu.memory_space<hbm>> -> memref<128x128xf32, #tpu.memory_space<hbm>>
      %dma_start3A_81 = arith.constant 0 : i32
      %dma_start3A_82 = tpu.memref_slice %arg6[%multiple_of3A_60, %dma_start3A_81] : memref<131072x128xf32, #tpu.memory_space<hbm>> -> memref<128x128xf32, #tpu.memory_space<hbm>>
      tpu.enqueue_dma source(%arg10 : memref<128x128xf32, #tpu.memory_space<vmem>>) target(%dma_start3A_82 : memref<128x128xf32, #tpu.memory_space<hbm>>) target_semaphore(%arg18 : memref<!tpu.dma_semaphore, #tpu.memory_space<semaphore_mem>>)
      %add3A_83 = arith.constant 2 : i32
      %add3A_84 = arith.addi %add3A_56, %add3A_83 : i32
      %lt3A = arith.constant 32 : i32
      %lt3A_85 = arith.cmpi slt, %add3A_84, %lt3A : i32
      %convert_element_type3A = arith.extui %lt3A_85 : i1 to i32
      %cond3A = arith.constant 0 : i32
      %cond3A_86 = arith.cmpi ne, %convert_element_type3A, %cond3A : i32
      scf.if %cond3A_86 {
        %dma_wait3A_124 = arith.constant 0 : i32
        %dma_wait3A_125 = tpu.memref_slice %arg5[%multiple_of3A_60, %dma_wait3A_124] : memref<131072x128xf32, #tpu.memory_space<hbm>> -> memref<128x128xf32, #tpu.memory_space<hbm>>
        %dma_wait3A_126 = arith.constant 0 : i32
        %dma_wait3A_127 = tpu.memref_slice %arg5[%multiple_of3A_60, %dma_wait3A_126] : memref<131072x128xf32, #tpu.memory_space<hbm>> -> memref<128x128xf32, #tpu.memory_space<hbm>>
        tpu.wait_dma2 semaphore(%arg16 : memref<!tpu.dma_semaphore, #tpu.memory_space<semaphore_mem>>) src(%arg8 : memref<128x128xf32, #tpu.memory_space<vmem>>) dst(%dma_wait3A_127 : memref<128x128xf32, #tpu.memory_space<hbm>>)
        %dma_wait3A_128 = arith.constant 0 : i32
        %dma_wait3A_129 = tpu.memref_slice %arg6[%multiple_of3A_60, %dma_wait3A_128] : memref<131072x128xf32, #tpu.memory_space<hbm>> -> memref<128x128xf32, #tpu.memory_space<hbm>>
        %dma_wait3A_130 = arith.constant 0 : i32
        %dma_wait3A_131 = tpu.memref_slice %arg6[%multiple_of3A_60, %dma_wait3A_130] : memref<131072x128xf32, #tpu.memory_space<hbm>> -> memref<128x128xf32, #tpu.memory_space<hbm>>
        tpu.wait_dma2 semaphore(%arg18 : memref<!tpu.dma_semaphore, #tpu.memory_space<semaphore_mem>>) src(%arg10 : memref<128x128xf32, #tpu.memory_space<vmem>>) dst(%dma_wait3A_131 : memref<128x128xf32, #tpu.memory_space<hbm>>)
        %add3A_132 = arith.constant 2 : i32
        %add3A_133 = arith.addi %add3A_56, %add3A_132 : i32
        %mul3A_134 = arith.constant 128 : i32
        %mul3A_135 = arith.muli %add3A_133, %mul3A_134 : i32
        %multiple_of3A_136 = tpu.assume_multiple %mul3A_135, 128 : i32
        %dma_start3A_137 = tpu.memref_slice %arg7[%multiple_of3A_136] : memref<4096xi32, #tpu.memory_space<vmem>> -> memref<128xi32, #tpu.memory_space<vmem>>
        %dma_start3A_138 = arith.constant 0 : i32
        %dma_start3A_139 = arith.constant 0 : i32
        %dma_start3A_140 = tpu.memref_slice %arg2[%dma_start3A_138, %dma_start3A_139] : memref<100000x128xf32, #tpu.memory_space<hbm>> -> memref<100000x128xf32, #tpu.memory_space<hbm>>
        tpu.enqueue_indirect_dma source(%dma_start3A_140 : memref<100000x128xf32, #tpu.memory_space<hbm>>) target(%arg8 : memref<128x128xf32, #tpu.memory_space<vmem>>) offsets(%dma_start3A_137 : memref<128xi32, #tpu.memory_space<vmem>>) semaphore(%arg12 : memref<!tpu.dma_semaphore, #tpu.memory_space<semaphore_mem>>)
        %add3A_141 = arith.constant 2 : i32
        %add3A_142 = arith.addi %add3A_56, %add3A_141 : i32
        %mul3A_143 = arith.constant 128 : i32
        %mul3A_144 = arith.muli %add3A_142, %mul3A_143 : i32
        %multiple_of3A_145 = tpu.assume_multiple %mul3A_144, 128 : i32
        %dma_start3A_146 = tpu.memref_slice %arg7[%multiple_of3A_145] : memref<4096xi32, #tpu.memory_space<vmem>> -> memref<128xi32, #tpu.memory_space<vmem>>
        %dma_start3A_147 = arith.constant 0 : i32
        %dma_start3A_148 = arith.constant 0 : i32
        %dma_start3A_149 = tpu.memref_slice %arg3[%dma_start3A_147, %dma_start3A_148] : memref<100000x128xf32, #tpu.memory_space<hbm>> -> memref<100000x128xf32, #tpu.memory_space<hbm>>
        tpu.enqueue_indirect_dma source(%dma_start3A_149 : memref<100000x128xf32, #tpu.memory_space<hbm>>) target(%arg10 : memref<128x128xf32, #tpu.memory_space<vmem>>) offsets(%dma_start3A_146 : memref<128xi32, #tpu.memory_space<vmem>>) semaphore(%arg14 : memref<!tpu.dma_semaphore, #tpu.memory_space<semaphore_mem>>)
      } else {
      }
      %mul3A_87 = arith.constant 2 : i32
      %mul3A_88 = arith.muli %scan3A_52, %mul3A_87 : i32
      %add3A_89 = arith.constant 1 : i32
      %add3A_90 = arith.addi %mul3A_88, %add3A_89 : i32
      %mul3A_91 = arith.constant 128 : i32
      %mul3A_92 = arith.muli %add3A_90, %mul3A_91 : i32
      %add3A_93 = arith.addi %multiple_of3A, %mul3A_92 : i32
      %multiple_of3A_94 = tpu.assume_multiple %add3A_93, 128 : i32
      %mul3A_95 = arith.constant 128 : i32
      %mul3A_96 = arith.muli %add3A_90, %mul3A_95 : i32
      %multiple_of3A_97 = tpu.assume_multiple %mul3A_96, 128 : i32
      %dma_wait3A_98 = tpu.memref_slice %arg7[%multiple_of3A_97] : memref<4096xi32, #tpu.memory_space<vmem>> -> memref<128xi32, #tpu.memory_space<vmem>>
      %dma_wait3A_99 = arith.constant 0 : i32
      %dma_wait3A_100 = arith.constant 0 : i32
      %dma_wait3A_101 = tpu.memref_slice %arg2[%dma_wait3A_99, %dma_wait3A_100] : memref<100000x128xf32, #tpu.memory_space<hbm>> -> memref<100000x128xf32, #tpu.memory_space<hbm>>
      tpu.wait_indirect_dma semaphore(%arg13 : memref<!tpu.dma_semaphore, #tpu.memory_space<semaphore_mem>>) src(%dma_wait3A_101 : memref<100000x128xf32, #tpu.memory_space<hbm>>) dst(%arg9 : memref<128x128xf32, #tpu.memory_space<vmem>>)
      %mul3A_102 = arith.constant 128 : i32
      %mul3A_103 = arith.muli %add3A_90, %mul3A_102 : i32
      %multiple_of3A_104 = tpu.assume_multiple %mul3A_103, 128 : i32
      %dma_wait3A_105 = tpu.memref_slice %arg7[%multiple_of3A_104] : memref<4096xi32, #tpu.memory_space<vmem>> -> memref<128xi32, #tpu.memory_space<vmem>>
      %dma_wait3A_106 = arith.constant 0 : i32
      %dma_wait3A_107 = arith.constant 0 : i32
      %dma_wait3A_108 = tpu.memref_slice %arg3[%dma_wait3A_106, %dma_wait3A_107] : memref<100000x128xf32, #tpu.memory_space<hbm>> -> memref<100000x128xf32, #tpu.memory_space<hbm>>
      tpu.wait_indirect_dma semaphore(%arg15 : memref<!tpu.dma_semaphore, #tpu.memory_space<semaphore_mem>>) src(%dma_wait3A_108 : memref<100000x128xf32, #tpu.memory_space<hbm>>) dst(%arg11 : memref<128x128xf32, #tpu.memory_space<vmem>>)
      %dma_start3A_109 = arith.constant 0 : i32
      %dma_start3A_110 = tpu.memref_slice %arg5[%multiple_of3A_94, %dma_start3A_109] : memref<131072x128xf32, #tpu.memory_space<hbm>> -> memref<128x128xf32, #tpu.memory_space<hbm>>
      %dma_start3A_111 = arith.constant 0 : i32
      %dma_start3A_112 = tpu.memref_slice %arg5[%multiple_of3A_94, %dma_start3A_111] : memref<131072x128xf32, #tpu.memory_space<hbm>> -> memref<128x128xf32, #tpu.memory_space<hbm>>
      tpu.enqueue_dma source(%arg9 : memref<128x128xf32, #tpu.memory_space<vmem>>) target(%dma_start3A_112 : memref<128x128xf32, #tpu.memory_space<hbm>>) target_semaphore(%arg17 : memref<!tpu.dma_semaphore, #tpu.memory_space<semaphore_mem>>)
      %dma_start3A_113 = arith.constant 0 : i32
      %dma_start3A_114 = tpu.memref_slice %arg6[%multiple_of3A_94, %dma_start3A_113] : memref<131072x128xf32, #tpu.memory_space<hbm>> -> memref<128x128xf32, #tpu.memory_space<hbm>>
      %dma_start3A_115 = arith.constant 0 : i32
      %dma_start3A_116 = tpu.memref_slice %arg6[%multiple_of3A_94, %dma_start3A_115] : memref<131072x128xf32, #tpu.memory_space<hbm>> -> memref<128x128xf32, #tpu.memory_space<hbm>>
      tpu.enqueue_dma source(%arg11 : memref<128x128xf32, #tpu.memory_space<vmem>>) target(%dma_start3A_116 : memref<128x128xf32, #tpu.memory_space<hbm>>) target_semaphore(%arg19 : memref<!tpu.dma_semaphore, #tpu.memory_space<semaphore_mem>>)
      %add3A_117 = arith.constant 2 : i32
      %add3A_118 = arith.addi %add3A_90, %add3A_117 : i32
      %lt3A_119 = arith.constant 32 : i32
      %lt3A_120 = arith.cmpi slt, %add3A_118, %lt3A_119 : i32
      %convert_element_type3A_121 = arith.extui %lt3A_120 : i1 to i32
      %cond3A_122 = arith.constant 0 : i32
      %cond3A_123 = arith.cmpi ne, %convert_element_type3A_121, %cond3A_122 : i32
      scf.if %cond3A_123 {
        %dma_wait3A_124 = arith.constant 0 : i32
        %dma_wait3A_125 = tpu.memref_slice %arg5[%multiple_of3A_94, %dma_wait3A_124] : memref<131072x128xf32, #tpu.memory_space<hbm>> -> memref<128x128xf32, #tpu.memory_space<hbm>>
        %dma_wait3A_126 = arith.constant 0 : i32
        %dma_wait3A_127 = tpu.memref_slice %arg5[%multiple_of3A_94, %dma_wait3A_126] : memref<131072x128xf32, #tpu.memory_space<hbm>> -> memref<128x128xf32, #tpu.memory_space<hbm>>
        tpu.wait_dma2 semaphore(%arg17 : memref<!tpu.dma_semaphore, #tpu.memory_space<semaphore_mem>>) src(%arg9 : memref<128x128xf32, #tpu.memory_space<vmem>>) dst(%dma_wait3A_127 : memref<128x128xf32, #tpu.memory_space<hbm>>)
        %dma_wait3A_128 = arith.constant 0 : i32
        %dma_wait3A_129 = tpu.memref_slice %arg6[%multiple_of3A_94, %dma_wait3A_128] : memref<131072x128xf32, #tpu.memory_space<hbm>> -> memref<128x128xf32, #tpu.memory_space<hbm>>
        %dma_wait3A_130 = arith.constant 0 : i32
        %dma_wait3A_131 = tpu.memref_slice %arg6[%multiple_of3A_94, %dma_wait3A_130] : memref<131072x128xf32, #tpu.memory_space<hbm>> -> memref<128x128xf32, #tpu.memory_space<hbm>>
        tpu.wait_dma2 semaphore(%arg19 : memref<!tpu.dma_semaphore, #tpu.memory_space<semaphore_mem>>) src(%arg11 : memref<128x128xf32, #tpu.memory_space<vmem>>) dst(%dma_wait3A_131 : memref<128x128xf32, #tpu.memory_space<hbm>>)
        %add3A_132 = arith.constant 2 : i32
        %add3A_133 = arith.addi %add3A_90, %add3A_132 : i32
        %mul3A_134 = arith.constant 128 : i32
        %mul3A_135 = arith.muli %add3A_133, %mul3A_134 : i32
        %multiple_of3A_136 = tpu.assume_multiple %mul3A_135, 128 : i32
        %dma_start3A_137 = tpu.memref_slice %arg7[%multiple_of3A_136] : memref<4096xi32, #tpu.memory_space<vmem>> -> memref<128xi32, #tpu.memory_space<vmem>>
        %dma_start3A_138 = arith.constant 0 : i32
        %dma_start3A_139 = arith.constant 0 : i32
        %dma_start3A_140 = tpu.memref_slice %arg2[%dma_start3A_138, %dma_start3A_139] : memref<100000x128xf32, #tpu.memory_space<hbm>> -> memref<100000x128xf32, #tpu.memory_space<hbm>>
        tpu.enqueue_indirect_dma source(%dma_start3A_140 : memref<100000x128xf32, #tpu.memory_space<hbm>>) target(%arg9 : memref<128x128xf32, #tpu.memory_space<vmem>>) offsets(%dma_start3A_137 : memref<128xi32, #tpu.memory_space<vmem>>) semaphore(%arg13 : memref<!tpu.dma_semaphore, #tpu.memory_space<semaphore_mem>>)
        %add3A_141 = arith.constant 2 : i32
        %add3A_142 = arith.addi %add3A_90, %add3A_141 : i32
        %mul3A_143 = arith.constant 128 : i32
        %mul3A_144 = arith.muli %add3A_142, %mul3A_143 : i32
        %multiple_of3A_145 = tpu.assume_multiple %mul3A_144, 128 : i32
        %dma_start3A_146 = tpu.memref_slice %arg7[%multiple_of3A_145] : memref<4096xi32, #tpu.memory_space<vmem>> -> memref<128xi32, #tpu.memory_space<vmem>>
        %dma_start3A_147 = arith.constant 0 : i32
        %dma_start3A_148 = arith.constant 0 : i32
        %dma_start3A_149 = tpu.memref_slice %arg3[%dma_start3A_147, %dma_start3A_148] : memref<100000x128xf32, #tpu.memory_space<hbm>> -> memref<100000x128xf32, #tpu.memory_space<hbm>>
        tpu.enqueue_indirect_dma source(%dma_start3A_149 : memref<100000x128xf32, #tpu.memory_space<hbm>>) target(%arg11 : memref<128x128xf32, #tpu.memory_space<vmem>>) offsets(%dma_start3A_146 : memref<128xi32, #tpu.memory_space<vmem>>) semaphore(%arg15 : memref<!tpu.dma_semaphore, #tpu.memory_space<semaphore_mem>>)
      } else {
      }
    }
    %scan3A_30 = arith.constant 16 : i32
    %add3A_31 = arith.constant 3840 : i32
    %add3A_32 = arith.addi %multiple_of3A, %add3A_31 : i32
    %multiple_of3A_33 = tpu.assume_multiple %add3A_32, 128 : i32
    %dma_wait3A = arith.constant 0 : i32
    %dma_wait3A_34 = tpu.memref_slice %arg5[%multiple_of3A_33, %dma_wait3A] : memref<131072x128xf32, #tpu.memory_space<hbm>> -> memref<128x128xf32, #tpu.memory_space<hbm>>
    %dma_wait3A_35 = arith.constant 0 : i32
    %dma_wait3A_36 = tpu.memref_slice %arg5[%multiple_of3A_33, %dma_wait3A_35] : memref<131072x128xf32, #tpu.memory_space<hbm>> -> memref<128x128xf32, #tpu.memory_space<hbm>>
    tpu.wait_dma2 semaphore(%arg16 : memref<!tpu.dma_semaphore, #tpu.memory_space<semaphore_mem>>) src(%arg8 : memref<128x128xf32, #tpu.memory_space<vmem>>) dst(%dma_wait3A_36 : memref<128x128xf32, #tpu.memory_space<hbm>>)
    %dma_wait3A_37 = arith.constant 0 : i32
    %dma_wait3A_38 = tpu.memref_slice %arg6[%multiple_of3A_33, %dma_wait3A_37] : memref<131072x128xf32, #tpu.memory_space<hbm>> -> memref<128x128xf32, #tpu.memory_space<hbm>>
    %dma_wait3A_39 = arith.constant 0 : i32
    %dma_wait3A_40 = tpu.memref_slice %arg6[%multiple_of3A_33, %dma_wait3A_39] : memref<131072x128xf32, #tpu.memory_space<hbm>> -> memref<128x128xf32, #tpu.memory_space<hbm>>
    tpu.wait_dma2 semaphore(%arg18 : memref<!tpu.dma_semaphore, #tpu.memory_space<semaphore_mem>>) src(%arg10 : memref<128x128xf32, #tpu.memory_space<vmem>>) dst(%dma_wait3A_40 : memref<128x128xf32, #tpu.memory_space<hbm>>)
    %add3A_41 = arith.constant 3968 : i32
    %add3A_42 = arith.addi %multiple_of3A, %add3A_41 : i32
    %multiple_of3A_43 = tpu.assume_multiple %add3A_42, 128 : i32
    %dma_wait3A_44 = arith.constant 0 : i32
    %dma_wait3A_45 = tpu.memref_slice %arg5[%multiple_of3A_43, %dma_wait3A_44] : memref<131072x128xf32, #tpu.memory_space<hbm>> -> memref<128x128xf32, #tpu.memory_space<hbm>>
    %dma_wait3A_46 = arith.constant 0 : i32
    %dma_wait3A_47 = tpu.memref_slice %arg5[%multiple_of3A_43, %dma_wait3A_46] : memref<131072x128xf32, #tpu.memory_space<hbm>> -> memref<128x128xf32, #tpu.memory_space<hbm>>
    tpu.wait_dma2 semaphore(%arg17 : memref<!tpu.dma_semaphore, #tpu.memory_space<semaphore_mem>>) src(%arg9 : memref<128x128xf32, #tpu.memory_space<vmem>>) dst(%dma_wait3A_47 : memref<128x128xf32, #tpu.memory_space<hbm>>)
    %dma_wait3A_48 = arith.constant 0 : i32
    %dma_wait3A_49 = tpu.memref_slice %arg6[%multiple_of3A_43, %dma_wait3A_48] : memref<131072x128xf32, #tpu.memory_space<hbm>> -> memref<128x128xf32, #tpu.memory_space<hbm>>
    %dma_wait3A_50 = arith.constant 0 : i32
    %dma_wait3A_51 = tpu.memref_slice %arg6[%multiple_of3A_43, %dma_wait3A_50] : memref<131072x128xf32, #tpu.memory_space<hbm>> -> memref<128x128xf32, #tpu.memory_space<hbm>>
    tpu.wait_dma2 semaphore(%arg19 : memref<!tpu.dma_semaphore, #tpu.memory_space<semaphore_mem>>) src(%arg11 : memref<128x128xf32, #tpu.memory_space<vmem>>) dst(%dma_wait3A_51 : memref<128x128xf32, #tpu.memory_space<hbm>>)
    return
  }
}

#map = affine_map<(d0, d1) -> (0, 0)>
#map1 = affine_map<(d0, d1) -> (0)>
module attributes {stable_mosaic.version = 14 : i64} {
  func.func @_gather_pos_body(%arg0: i32, %arg1: i32, %arg2: memref<100000x128xf32, #tpu.memory_space<hbm>>, %arg3: memref<100000x128xf32, #tpu.memory_space<hbm>>, %arg4: memref<128xi32, #tpu.memory_space<hbm>>, %arg5: memref<128x128xf32, #tpu.memory_space<hbm>>, %arg6: memref<128x128xf32, #tpu.memory_space<hbm>>, %arg7: memref<128xi32, #tpu.memory_space<vmem>>, %arg8: memref<128x128xf32, #tpu.memory_space<vmem>>, %arg9: memref<128x128xf32, #tpu.memory_space<vmem>>, %arg10: memref<!tpu.dma_semaphore, #tpu.memory_space<semaphore_mem>>, %arg11: memref<!tpu.dma_semaphore, #tpu.memory_space<semaphore_mem>>) attributes {dimension_semantics = [#tpu.dimension_semantics<core_parallel>, #tpu.dimension_semantics<subcore_parallel>], iteration_bounds = array<i64: 2, 16>, scalar_prefetch = 0 : i64, scratch_operands = 5 : i64, tpu.core_type = #tpu.core_type<sc_vector_subcore>, window_params = [{transform_indices = #map}, {transform_indices = #map}, {transform_indices = #map1}, {transform_indices = #map}, {transform_indices = #map}]} {
    %mul3A = arith.constant 2 : i32
    %mul3A_0 = arith.muli %arg1, %mul3A : i32
    %add3A = arith.addi %mul3A_0, %arg0 : i32
    %eq3A = arith.constant 0 : i32
    %eq3A_1 = arith.cmpi eq, %add3A, %eq3A : i32
    %convert_element_type3A = arith.extui %eq3A_1 : i1 to i32
    %cond3A = arith.constant 0 : i32
    %cond3A_2 = arith.cmpi ne, %convert_element_type3A, %cond3A : i32
    scf.if %cond3A_2 {
      "tpu.region"() ({
        %run_scoped3A = tpu.sem_alloc : memref<!tpu.dma_semaphore, #tpu.memory_space<semaphore_mem>>
        tpu.enqueue_dma source(%arg4 : memref<128xi32, #tpu.memory_space<hbm>>) target(%arg7 : memref<128xi32, #tpu.memory_space<vmem>>) target_semaphore(%run_scoped3A : memref<!tpu.dma_semaphore, #tpu.memory_space<semaphore_mem>>)
        tpu.wait_dma2 semaphore(%run_scoped3A : memref<!tpu.dma_semaphore, #tpu.memory_space<semaphore_mem>>) src(%arg4 : memref<128xi32, #tpu.memory_space<hbm>>) dst(%arg7 : memref<128xi32, #tpu.memory_space<vmem>>)
        tpu.yield
      }) : () -> ()
      %dma_start3A = arith.constant 0 : i32
      %dma_start3A_3 = arith.constant 0 : i32
      %dma_start3A_4 = tpu.memref_slice %arg2[%dma_start3A, %dma_start3A_3] : memref<100000x128xf32, #tpu.memory_space<hbm>> -> memref<100000x128xf32, #tpu.memory_space<hbm>>
      tpu.enqueue_indirect_dma source(%dma_start3A_4 : memref<100000x128xf32, #tpu.memory_space<hbm>>) target(%arg8 : memref<128x128xf32, #tpu.memory_space<vmem>>) offsets(%arg7 : memref<128xi32, #tpu.memory_space<vmem>>) semaphore(%arg10 : memref<!tpu.dma_semaphore, #tpu.memory_space<semaphore_mem>>)
      %dma_start3A_5 = arith.constant 0 : i32
      %dma_start3A_6 = arith.constant 0 : i32
      %dma_start3A_7 = tpu.memref_slice %arg3[%dma_start3A_5, %dma_start3A_6] : memref<100000x128xf32, #tpu.memory_space<hbm>> -> memref<100000x128xf32, #tpu.memory_space<hbm>>
      tpu.enqueue_indirect_dma source(%dma_start3A_7 : memref<100000x128xf32, #tpu.memory_space<hbm>>) target(%arg9 : memref<128x128xf32, #tpu.memory_space<vmem>>) offsets(%arg7 : memref<128xi32, #tpu.memory_space<vmem>>) semaphore(%arg11 : memref<!tpu.dma_semaphore, #tpu.memory_space<semaphore_mem>>)
      %dma_wait3A = arith.constant 0 : i32
      %dma_wait3A_8 = arith.constant 0 : i32
      %dma_wait3A_9 = tpu.memref_slice %arg2[%dma_wait3A, %dma_wait3A_8] : memref<100000x128xf32, #tpu.memory_space<hbm>> -> memref<100000x128xf32, #tpu.memory_space<hbm>>
      tpu.wait_indirect_dma semaphore(%arg10 : memref<!tpu.dma_semaphore, #tpu.memory_space<semaphore_mem>>) src(%dma_wait3A_9 : memref<100000x128xf32, #tpu.memory_space<hbm>>) dst(%arg8 : memref<128x128xf32, #tpu.memory_space<vmem>>)
      %dma_wait3A_10 = arith.constant 0 : i32
      %dma_wait3A_11 = arith.constant 0 : i32
      %dma_wait3A_12 = tpu.memref_slice %arg3[%dma_wait3A_10, %dma_wait3A_11] : memref<100000x128xf32, #tpu.memory_space<hbm>> -> memref<100000x128xf32, #tpu.memory_space<hbm>>
      tpu.wait_indirect_dma semaphore(%arg11 : memref<!tpu.dma_semaphore, #tpu.memory_space<semaphore_mem>>) src(%dma_wait3A_12 : memref<100000x128xf32, #tpu.memory_space<hbm>>) dst(%arg9 : memref<128x128xf32, #tpu.memory_space<vmem>>)
      "tpu.region"() ({
        %run_scoped3A = tpu.sem_alloc : memref<!tpu.dma_semaphore, #tpu.memory_space<semaphore_mem>>
        tpu.enqueue_dma source(%arg8 : memref<128x128xf32, #tpu.memory_space<vmem>>) target(%arg5 : memref<128x128xf32, #tpu.memory_space<hbm>>) target_semaphore(%run_scoped3A : memref<!tpu.dma_semaphore, #tpu.memory_space<semaphore_mem>>)
        tpu.wait_dma2 semaphore(%run_scoped3A : memref<!tpu.dma_semaphore, #tpu.memory_space<semaphore_mem>>) src(%arg8 : memref<128x128xf32, #tpu.memory_space<vmem>>) dst(%arg5 : memref<128x128xf32, #tpu.memory_space<hbm>>)
        tpu.yield
      }) : () -> ()
      "tpu.region"() ({
        %run_scoped3A = tpu.sem_alloc : memref<!tpu.dma_semaphore, #tpu.memory_space<semaphore_mem>>
        tpu.enqueue_dma source(%arg9 : memref<128x128xf32, #tpu.memory_space<vmem>>) target(%arg6 : memref<128x128xf32, #tpu.memory_space<hbm>>) target_semaphore(%run_scoped3A : memref<!tpu.dma_semaphore, #tpu.memory_space<semaphore_mem>>)
        tpu.wait_dma2 semaphore(%run_scoped3A : memref<!tpu.dma_semaphore, #tpu.memory_space<semaphore_mem>>) src(%arg9 : memref<128x128xf32, #tpu.memory_space<vmem>>) dst(%arg6 : memref<128x128xf32, #tpu.memory_space<hbm>>)
        tpu.yield
      }) : () -> ()
    } else {
    }
    return
  }
}

module attributes {stable_mosaic.version = 14 : i64} {
  func.func @_scat_body(%arg0: i32, %arg1: memref<128xi32, #tpu.memory_space<smem>>, %arg2: memref<128x128xf32, #tpu.memory_space<vmem>>, %arg3: memref<128x128xf32, #tpu.memory_space<vmem>>, %arg4: memref<100000x128xf32, #tpu.memory_space<any>>, %arg5: memref<100000x128xf32, #tpu.memory_space<any>>, %arg6: memref<100000x128xf32, #tpu.memory_space<any>>, %arg7: memref<100000x128xf32, #tpu.memory_space<any>>, %arg8: memref<!tpu.dma_semaphore, #tpu.memory_space<semaphore_mem>>) attributes {dimension_semantics = [#tpu.dimension_semantics<arbitrary>], iteration_bounds = array<i64: 1>, scalar_prefetch = 1 : i64, scratch_operands = 1 : i64, tpu.core_type = #tpu.core_type<tc>, window_params = [{pipeline_mode = #tpu.pipeline_mode<synchronous>, transform_indices = @transform_0, window_bounds = array<i64: 128, 128>}, {pipeline_mode = #tpu.pipeline_mode<synchronous>, transform_indices = @transform_1, window_bounds = array<i64: 128, 128>}, {}, {}, {}, {}]} {
    %scan3A = arith.constant 0 : i32
    %scan3A_0 = arith.constant 128 : i32
    %scan3A_1 = arith.addi %scan3A, %scan3A_0 : i32
    %scan3A_2 = arith.constant 1 : i32
    scf.for %scan3A_8 = %scan3A to %scan3A_1 step %scan3A_2  : i32 {
      %get3A = arith.index_cast %scan3A_8 : i32 to index
      %get3A_9 = memref.load %arg1[%get3A] : memref<128xi32, #tpu.memory_space<smem>>
      %dma_start3A = arith.constant 0 : i32
      %dma_start3A_10 = tpu.memref_slice %arg6[%get3A_9, %dma_start3A] : memref<100000x128xf32, #tpu.memory_space<any>> -> memref<1x128xf32, #tpu.memory_space<any>>
      %dma_start3A_11 = tpu.memref_squeeze %dma_start3A_10 : memref<1x128xf32, #tpu.memory_space<any>> -> memref<128xf32, #tpu.memory_space<any>>
      %dma_start3A_12 = arith.constant 0 : i32
      %dma_start3A_13 = tpu.memref_slice %arg2[%scan3A_8, %dma_start3A_12] : memref<128x128xf32, #tpu.memory_space<vmem>> -> memref<1x128xf32, #tpu.memory_space<vmem>>
      %dma_start3A_14 = tpu.memref_squeeze %dma_start3A_13 : memref<1x128xf32, #tpu.memory_space<vmem>> -> memref<128xf32, #tpu.memory_space<vmem>>
      tpu.enqueue_dma source(%dma_start3A_14 : memref<128xf32, #tpu.memory_space<vmem>>) target(%dma_start3A_11 : memref<128xf32, #tpu.memory_space<any>>) target_semaphore(%arg8 : memref<!tpu.dma_semaphore, #tpu.memory_space<semaphore_mem>>)
      %dma_start3A_15 = arith.constant 0 : i32
      %dma_start3A_16 = tpu.memref_slice %arg7[%get3A_9, %dma_start3A_15] : memref<100000x128xf32, #tpu.memory_space<any>> -> memref<1x128xf32, #tpu.memory_space<any>>
      %dma_start3A_17 = tpu.memref_squeeze %dma_start3A_16 : memref<1x128xf32, #tpu.memory_space<any>> -> memref<128xf32, #tpu.memory_space<any>>
      %dma_start3A_18 = arith.constant 0 : i32
      %dma_start3A_19 = tpu.memref_slice %arg3[%scan3A_8, %dma_start3A_18] : memref<128x128xf32, #tpu.memory_space<vmem>> -> memref<1x128xf32, #tpu.memory_space<vmem>>
      %dma_start3A_20 = tpu.memref_squeeze %dma_start3A_19 : memref<1x128xf32, #tpu.memory_space<vmem>> -> memref<128xf32, #tpu.memory_space<vmem>>
      tpu.enqueue_dma source(%dma_start3A_20 : memref<128xf32, #tpu.memory_space<vmem>>) target(%dma_start3A_17 : memref<128xf32, #tpu.memory_space<any>>) target_semaphore(%arg8 : memref<!tpu.dma_semaphore, #tpu.memory_space<semaphore_mem>>)
    }
    %scan3A_3 = arith.constant 128 : i32
    %scan3A_4 = arith.constant 0 : i32
    %scan3A_5 = arith.constant 128 : i32
    %scan3A_6 = arith.addi %scan3A_4, %scan3A_5 : i32
    %scan3A_7 = arith.constant 1 : i32
    scf.for %scan3A_8 = %scan3A_4 to %scan3A_6 step %scan3A_7  : i32 {
      %dma_wait3A = arith.constant 0 : i32
      %dma_wait3A_9 = arith.constant 0 : i32
      %dma_wait3A_10 = arith.constant 0 : i32
      %dma_wait3A_11 = tpu.memref_slice %arg6[%dma_wait3A_9, %dma_wait3A_10] : memref<100000x128xf32, #tpu.memory_space<any>> -> memref<1x128xf32, #tpu.memory_space<any>>
      %dma_wait3A_12 = tpu.memref_squeeze %dma_wait3A_11 : memref<1x128xf32, #tpu.memory_space<any>> -> memref<128xf32, #tpu.memory_space<any>>
      %dma_wait3A_13 = arith.constant 0 : i32
      %dma_wait3A_14 = tpu.memref_slice %arg2[%dma_wait3A, %dma_wait3A_13] : memref<128x128xf32, #tpu.memory_space<vmem>> -> memref<1x128xf32, #tpu.memory_space<vmem>>
      %dma_wait3A_15 = tpu.memref_squeeze %dma_wait3A_14 : memref<1x128xf32, #tpu.memory_space<vmem>> -> memref<128xf32, #tpu.memory_space<vmem>>
      tpu.wait_dma2 semaphore(%arg8 : memref<!tpu.dma_semaphore, #tpu.memory_space<semaphore_mem>>) src(%dma_wait3A_15 : memref<128xf32, #tpu.memory_space<vmem>>) dst(%dma_wait3A_12 : memref<128xf32, #tpu.memory_space<any>>)
      %dma_wait3A_16 = arith.constant 0 : i32
      %dma_wait3A_17 = arith.constant 0 : i32
      %dma_wait3A_18 = arith.constant 0 : i32
      %dma_wait3A_19 = tpu.memref_slice %arg7[%dma_wait3A_17, %dma_wait3A_18] : memref<100000x128xf32, #tpu.memory_space<any>> -> memref<1x128xf32, #tpu.memory_space<any>>
      %dma_wait3A_20 = tpu.memref_squeeze %dma_wait3A_19 : memref<1x128xf32, #tpu.memory_space<any>> -> memref<128xf32, #tpu.memory_space<any>>
      %dma_wait3A_21 = arith.constant 0 : i32
      %dma_wait3A_22 = tpu.memref_slice %arg3[%dma_wait3A_16, %dma_wait3A_21] : memref<128x128xf32, #tpu.memory_space<vmem>> -> memref<1x128xf32, #tpu.memory_space<vmem>>
      %dma_wait3A_23 = tpu.memref_squeeze %dma_wait3A_22 : memref<1x128xf32, #tpu.memory_space<vmem>> -> memref<128xf32, #tpu.memory_space<vmem>>
      tpu.wait_dma2 semaphore(%arg8 : memref<!tpu.dma_semaphore, #tpu.memory_space<semaphore_mem>>) src(%dma_wait3A_23 : memref<128xf32, #tpu.memory_space<vmem>>) dst(%dma_wait3A_20 : memref<128xf32, #tpu.memory_space<any>>)
    }
    return
  }
  func.func @transform_0(%arg0: i32, %arg1: memref<128xi32, #tpu.memory_space<smem>>) -> (i32, i32) {
    %c0_i32 = arith.constant 0 : i32
    %c0_i32_0 = arith.constant 0 : i32
    %c0_i32_1 = arith.constant 0 : i32
    return %c0_i32, %c0_i32_0 : i32, i32
  }
  func.func @transform_1(%arg0: i32, %arg1: memref<128xi32, #tpu.memory_space<smem>>) -> (i32, i32) {
    %c0_i32 = arith.constant 0 : i32
    %c0_i32_0 = arith.constant 0 : i32
    %c0_i32_1 = arith.constant 0 : i32
    return %c0_i32, %c0_i32_0 : i32, i32
  }
}

module attributes {stable_mosaic.version = 14 : i64} {
  func.func @_c2_body(%arg0: i32, %arg1: memref<1x1024x128xf32, #tpu.memory_space<vmem>>, %arg2: memref<1x1024x128xf32, #tpu.memory_space<vmem>>, %arg3: memref<1x1x128xf32, #tpu.memory_space<vmem>>, %arg4: memref<1x1x128xf32, #tpu.memory_space<vmem>>, %arg5: memref<128x128xf32, #tpu.memory_space<vmem>>, %arg6: memref<1x128xf32, #tpu.memory_space<vmem>>, %arg7: memref<1x800x128xf32, #tpu.memory_space<vmem>>, %arg8: memref<1x800x128xf32, #tpu.memory_space<vmem>>, %arg9: memref<1x1xf32, #tpu.memory_space<smem>>, %arg10: memref<1x800x128xf32, #tpu.memory_space<vmem>>, %arg11: memref<1x800x128xf32, #tpu.memory_space<vmem>>) attributes {dimension_semantics = [#tpu.dimension_semantics<arbitrary>], iteration_bounds = array<i64: 128>, scalar_prefetch = 0 : i64, scratch_operands = 0 : i64, tpu.core_type = #tpu.core_type<tc>, window_params = [{transform_indices = @transform_0, window_bounds = array<i64: 1, 1024, 128>}, {transform_indices = @transform_1, window_bounds = array<i64: 1, 1024, 128>}, {transform_indices = @transform_2, window_bounds = array<i64: 1, 1, 128>}, {transform_indices = @transform_3, window_bounds = array<i64: 1, 1, 128>}, {pipeline_mode = #tpu.pipeline_mode<synchronous>, transform_indices = @transform_4, window_bounds = array<i64: 128, 128>}, {pipeline_mode = #tpu.pipeline_mode<synchronous>, transform_indices = @transform_5, window_bounds = array<i64: 1, 128>}, {transform_indices = @transform_6, window_bounds = array<i64: 1, 800, 128>}, {transform_indices = @transform_7, window_bounds = array<i64: 1, 800, 128>}, {transform_indices = @transform_8, window_bounds = array<i64: 1, 1>}, {transform_indices = @transform_9, window_bounds = array<i64: 1, 800, 128>}, {transform_indices = @transform_10, window_bounds = array<i64: 1, 800, 128>}]} {
    %get3A = arith.constant 0 : index
    %get3A_0 = arith.constant 0 : index
    %get3A_1 = arith.constant 0 : index
    %get3A_2 = vector.load %arg1[%get3A, %get3A_0, %get3A_1] : memref<1x1024x128xf32, #tpu.memory_space<vmem>>, vector<1x1024x128xf32>
    %get3A_3 = vector.shape_cast %get3A_2 : vector<1x1024x128xf32> to vector<1024x128xf32>
    %get3A_4 = arith.constant 0 : index
    %get3A_5 = arith.constant 0 : index
    %get3A_6 = arith.constant 0 : index
    %get3A_7 = vector.load %arg4[%get3A_4, %get3A_5, %get3A_6] : memref<1x1x128xf32, #tpu.memory_space<vmem>>, vector<1x1x128xf32>
    %get3A_8 = vector.shape_cast %get3A_7 : vector<1x1x128xf32> to vector<1x128xf32>
    %mul3A = vector.broadcast %get3A_8 : vector<1x128xf32> to vector<1024x128xf32>
    %mul3A_9 = arith.mulf %get3A_3, %mul3A : vector<1024x128xf32>
    %get3A_10 = arith.constant 0 : index
    %get3A_11 = arith.constant 0 : index
    %get3A_12 = vector.load %arg5[%get3A_10, %get3A_11] : memref<128x128xf32, #tpu.memory_space<vmem>>, vector<128x128xf32>
    %dot_general3A = arith.constant dense<0.000000e+00> : vector<1024x128xf32>
    %dot_general3A_13 = tpu.matmul %mul3A_9, %get3A_12, %dot_general3A {dimension_numbers = #tpu.dot_dimension_numbers<[1], [1], [0], [0], [0, 0, 1, 0], [], []>, transpose_lhs_hint = false} : vector<1024x128xf32>, vector<128x128xf32>, vector<1024x128xf32> -> vector<1024x128xf32>
    %get3A_14 = arith.constant 0 : index
    %get3A_15 = arith.constant 0 : index
    %get3A_16 = vector.load %arg6[%get3A_14, %get3A_15] : memref<1x128xf32, #tpu.memory_space<vmem>>, vector<1x128xf32>
    %add3A = vector.broadcast %get3A_16 : vector<1x128xf32> to vector<1024x128xf32>
    %add3A_17 = arith.addf %dot_general3A_13, %add3A : vector<1024x128xf32>
    %get3A_18 = arith.constant 0 : index
    %get3A_19 = arith.constant 0 : index
    %get3A_20 = arith.constant 0 : index
    %get3A_21 = vector.load %arg2[%get3A_18, %get3A_19, %get3A_20] : memref<1x1024x128xf32, #tpu.memory_space<vmem>>, vector<1x1024x128xf32>
    %get3A_22 = vector.shape_cast %get3A_21 : vector<1x1024x128xf32> to vector<1024x128xf32>
    %get3A_23 = arith.constant 0 : index
    %get3A_24 = arith.constant 0 : index
    %get3A_25 = arith.constant 0 : index
    %get3A_26 = vector.load %arg3[%get3A_23, %get3A_24, %get3A_25] : memref<1x1x128xf32, #tpu.memory_space<vmem>>, vector<1x1x128xf32>
    %get3A_27 = vector.shape_cast %get3A_26 : vector<1x1x128xf32> to vector<1x128xf32>
    %mul3A_28 = vector.broadcast %get3A_27 : vector<1x128xf32> to vector<1024x128xf32>
    %mul3A_29 = arith.mulf %get3A_22, %mul3A_28 : vector<1024x128xf32>
    %get3A_30 = arith.constant 0 : index
    %get3A_31 = arith.constant 0 : index
    %get3A_32 = vector.load %arg5[%get3A_30, %get3A_31] : memref<128x128xf32, #tpu.memory_space<vmem>>, vector<128x128xf32>
    %dot_general3A_33 = arith.constant dense<0.000000e+00> : vector<1024x128xf32>
    %dot_general3A_34 = tpu.matmul %mul3A_29, %get3A_32, %dot_general3A_33 {dimension_numbers = #tpu.dot_dimension_numbers<[1], [1], [0], [0], [0, 0, 1, 0], [], []>, transpose_lhs_hint = false} : vector<1024x128xf32>, vector<128x128xf32>, vector<1024x128xf32> -> vector<1024x128xf32>
    %get3A_35 = arith.constant 0 : index
    %get3A_36 = arith.constant 0 : index
    %get3A_37 = vector.load %arg6[%get3A_35, %get3A_36] : memref<1x128xf32, #tpu.memory_space<vmem>>, vector<1x128xf32>
    %add3A_38 = vector.broadcast %get3A_37 : vector<1x128xf32> to vector<1024x128xf32>
    %add3A_39 = arith.addf %dot_general3A_34, %add3A_38 : vector<1024x128xf32>
    %mul3A_40 = arith.mulf %add3A_17, %add3A_39 : vector<1024x128xf32>
    %reduce_sum3A = arith.constant dense<0.000000e+00> : vector<1024xf32>
    %reduce_sum3A_41 = vector.multi_reduction <add>, %mul3A_40, %reduce_sum3A [1] : vector<1024x128xf32> to vector<1024xf32>
    %mul3A_42 = arith.mulf %add3A_17, %add3A_17 : vector<1024x128xf32>
    %reduce_sum3A_43 = arith.constant dense<0.000000e+00> : vector<1024xf32>
    %reduce_sum3A_44 = vector.multi_reduction <add>, %mul3A_42, %reduce_sum3A_43 [1] : vector<1024x128xf32> to vector<1024xf32>
    %mul3A_45 = arith.mulf %add3A_39, %add3A_39 : vector<1024x128xf32>
    %reduce_sum3A_46 = arith.constant dense<0.000000e+00> : vector<1024xf32>
    %reduce_sum3A_47 = vector.multi_reduction <add>, %mul3A_45, %reduce_sum3A_46 [1] : vector<1024x128xf32> to vector<1024xf32>
    %mul3A_48 = arith.mulf %reduce_sum3A_44, %reduce_sum3A_47 : vector<1024xf32>
    %rsqrt3A = math.rsqrt %mul3A_48 : vector<1024xf32>
    %mul3A_49 = arith.mulf %reduce_sum3A_41, %rsqrt3A : vector<1024xf32>
    %div3A = arith.constant 7.000000e-02 : f32
    %div3A_50 = vector.broadcast %div3A : f32 to vector<1024xf32>
    %div3A_51 = arith.divf %mul3A_49, %div3A_50 : vector<1024xf32>
    %exp3A = math.exp %div3A_51 : vector<1024xf32>
    %div3A_52 = arith.constant 1.000000e+05 : f32
    %div3A_53 = vector.broadcast %div3A_52 : f32 to vector<1024xf32>
    %div3A_54 = arith.divf %exp3A, %div3A_53 : vector<1024xf32>
    %add3A_55 = arith.constant 1.024000e-02 : f32
    %add3A_56 = vector.broadcast %add3A_55 : f32 to vector<1024xf32>
    %add3A_57 = arith.addf %div3A_54, %add3A_56 : vector<1024xf32>
    %add3A_58 = arith.constant 1.000000e-07 : f32
    %add3A_59 = vector.broadcast %add3A_58 : f32 to vector<1024xf32>
    %add3A_60 = arith.addf %add3A_57, %add3A_59 : vector<1024xf32>
    %div3A_61 = arith.constant 1.024000e-02 : f32
    %div3A_62 = vector.broadcast %div3A_61 : f32 to vector<1024xf32>
    %div3A_63 = arith.divf %div3A_62, %add3A_60 : vector<1024xf32>
    %log3A = math.log %div3A_63 : vector<1024xf32>
    %reduce_sum3A_64 = vector.shape_cast %log3A : vector<1024xf32> to vector<1x1024xf32>
    %reduce_sum3A_65 = arith.constant dense<0.000000e+00> : vector<1xf32>
    %reduce_sum3A_66 = vector.multi_reduction <add>, %reduce_sum3A_64, %reduce_sum3A_65 [1] : vector<1x1024xf32> to vector<1xf32>
    %reduce_sum3A_67 = vector.shape_cast %reduce_sum3A_66 : vector<1xf32> to vector<1x1xf32>
    %reduce_sum3A_68 = vector.extract %reduce_sum3A_67[0, 0] : f32 from vector<1x1xf32>
    %eq3A = arith.constant 0 : i32
    %eq3A_69 = arith.cmpi eq, %arg0, %eq3A : i32
    %convert_element_type3A = arith.extui %eq3A_69 : i1 to i32
    %cond3A = arith.constant 0 : i32
    %cond3A_70 = arith.cmpi ne, %convert_element_type3A, %cond3A : i32
    scf.if %cond3A_70 {
      %swap3A_93 = arith.constant 0.000000e+00 : f32
      %swap3A_94 = arith.constant 0 : index
      %swap3A_95 = arith.constant 0 : index
      %swap3A_96 = memref.load %arg9[%swap3A_94, %swap3A_95] : memref<1x1xf32, #tpu.memory_space<smem>>
      memref.store %swap3A_93, %arg9[%swap3A_94, %swap3A_95] : memref<1x1xf32, #tpu.memory_space<smem>>
    } else {
    }
    %get3A_71 = arith.constant 0 : index
    %get3A_72 = arith.constant 0 : index
    %get3A_73 = memref.load %arg9[%get3A_71, %get3A_72] : memref<1x1xf32, #tpu.memory_space<smem>>
    %add3A_74 = arith.addf %get3A_73, %reduce_sum3A_68 : f32
    %swap3A = arith.constant 0 : index
    %swap3A_75 = arith.constant 0 : index
    %swap3A_76 = memref.load %arg9[%swap3A, %swap3A_75] : memref<1x1xf32, #tpu.memory_space<smem>>
    memref.store %add3A_74, %arg9[%swap3A, %swap3A_75] : memref<1x1xf32, #tpu.memory_space<smem>>
    %get3A_77 = arith.constant 0 : index
    %get3A_78 = arith.constant 0 : index
    %get3A_79 = arith.constant 0 : index
    %get3A_80 = vector.load %arg7[%get3A_77, %get3A_78, %get3A_79] : memref<1x800x128xf32, #tpu.memory_space<vmem>>, vector<1x800x128xf32>
    %swap3A_81 = arith.constant 0 : index
    %swap3A_82 = arith.constant 0 : index
    %swap3A_83 = arith.constant 0 : index
    %swap3A_84 = vector.load %arg10[%swap3A_81, %swap3A_82, %swap3A_83] : memref<1x800x128xf32, #tpu.memory_space<vmem>>, vector<1x800x128xf32>
    tpu.vector_store %arg10[%swap3A_81, %swap3A_82, %swap3A_83], %get3A_80 {strides = array<i32>} : memref<1x800x128xf32, #tpu.memory_space<vmem>>, vector<1x800x128xf32>,
    %get3A_85 = arith.constant 0 : index
    %get3A_86 = arith.constant 0 : index
    %get3A_87 = arith.constant 0 : index
    %get3A_88 = vector.load %arg8[%get3A_85, %get3A_86, %get3A_87] : memref<1x800x128xf32, #tpu.memory_space<vmem>>, vector<1x800x128xf32>
    %swap3A_89 = arith.constant 0 : index
    %swap3A_90 = arith.constant 0 : index
    %swap3A_91 = arith.constant 0 : index
    %swap3A_92 = vector.load %arg11[%swap3A_89, %swap3A_90, %swap3A_91] : memref<1x800x128xf32, #tpu.memory_space<vmem>>, vector<1x800x128xf32>
    tpu.vector_store %arg11[%swap3A_89, %swap3A_90, %swap3A_91], %get3A_88 {strides = array<i32>} : memref<1x800x128xf32, #tpu.memory_space<vmem>>, vector<1x800x128xf32>,
    return
  }
  func.func @transform_0(%arg0: i32) -> (i32, i32, i32) {
    %c0_i32 = arith.constant 0 : i32
    %c0_i32_0 = arith.constant 0 : i32
    %c0_i32_1 = arith.constant 0 : i32
    return %arg0, %c0_i32, %c0_i32_0 : i32, i32, i32
  }
  func.func @transform_1(%arg0: i32) -> (i32, i32, i32) {
    %c0_i32 = arith.constant 0 : i32
    %c0_i32_0 = arith.constant 0 : i32
    %c0_i32_1 = arith.constant 0 : i32
    return %arg0, %c0_i32, %c0_i32_0 : i32, i32, i32
  }
  func.func @transform_2(%arg0: i32) -> (i32, i32, i32) {
    %c0_i32 = arith.constant 0 : i32
    %c0_i32_0 = arith.constant 0 : i32
    %c0_i32_1 = arith.constant 0 : i32
    return %arg0, %c0_i32, %c0_i32_0 : i32, i32, i32
  }
  func.func @transform_3(%arg0: i32) -> (i32, i32, i32) {
    %c0_i32 = arith.constant 0 : i32
    %c0_i32_0 = arith.constant 0 : i32
    %c0_i32_1 = arith.constant 0 : i32
    return %arg0, %c0_i32, %c0_i32_0 : i32, i32, i32
  }
  func.func @transform_4(%arg0: i32) -> (i32, i32) {
    %c0_i32 = arith.constant 0 : i32
    %c0_i32_0 = arith.constant 0 : i32
    %c0_i32_1 = arith.constant 0 : i32
    return %c0_i32, %c0_i32_0 : i32, i32
  }
  func.func @transform_5(%arg0: i32) -> (i32, i32) {
    %c0_i32 = arith.constant 0 : i32
    %c0_i32_0 = arith.constant 0 : i32
    %c0_i32_1 = arith.constant 0 : i32
    return %c0_i32, %c0_i32_0 : i32, i32
  }
  func.func @transform_6(%arg0: i32) -> (i32, i32, i32) {
    %min3A = arith.constant 124 : i32
    %min3A_0 = arith.minsi %arg0, %min3A : i32
    %c0_i32 = arith.constant 0 : i32
    %c0_i32_1 = arith.constant 0 : i32
    %c0_i32_2 = arith.constant 0 : i32
    return %min3A_0, %c0_i32, %c0_i32_1 : i32, i32, i32
  }
  func.func @transform_7(%arg0: i32) -> (i32, i32, i32) {
    %min3A = arith.constant 124 : i32
    %min3A_0 = arith.minsi %arg0, %min3A : i32
    %c0_i32 = arith.constant 0 : i32
    %c0_i32_1 = arith.constant 0 : i32
    %c0_i32_2 = arith.constant 0 : i32
    return %min3A_0, %c0_i32, %c0_i32_1 : i32, i32, i32
  }
  func.func @transform_8(%arg0: i32) -> (i32, i32) {
    %c0_i32 = arith.constant 0 : i32
    %c0_i32_0 = arith.constant 0 : i32
    %c0_i32_1 = arith.constant 0 : i32
    return %c0_i32, %c0_i32_0 : i32, i32
  }
  func.func @transform_9(%arg0: i32) -> (i32, i32, i32) {
    %min3A = arith.constant 124 : i32
    %min3A_0 = arith.minsi %arg0, %min3A : i32
    %c0_i32 = arith.constant 0 : i32
    %c0_i32_1 = arith.constant 0 : i32
    %c0_i32_2 = arith.constant 0 : i32
    return %min3A_0, %c0_i32, %c0_i32_1 : i32, i32, i32
  }
  func.func @transform_10(%arg0: i32) -> (i32, i32, i32) {
    %min3A = arith.constant 124 : i32
    %min3A_0 = arith.minsi %arg0, %min3A : i32
    %c0_i32 = arith.constant 0 : i32
    %c0_i32_1 = arith.constant 0 : i32
    %c0_i32_2 = arith.constant 0 : i32
    return %min3A_0, %c0_i32, %c0_i32_1 : i32, i32, i32
  }
}

module attributes {stable_mosaic.version = 14 : i64} {
  func.func @_c1_body(%arg0: memref<128x256xf32, #tpu.memory_space<vmem>>, %arg1: memref<128x256xf32, #tpu.memory_space<vmem>>, %arg2: memref<128x256xf32, #tpu.memory_space<vmem>>, %arg3: memref<1x128xf32, #tpu.memory_space<vmem>>, %arg4: memref<128x256xf32, #tpu.memory_space<vmem>>, %arg5: memref<1x128xf32, #tpu.memory_space<vmem>>, %arg6: memref<128x128xf32, #tpu.memory_space<vmem>>, %arg7: memref<128x128xf32, #tpu.memory_space<vmem>>, %arg8: memref<128x128xf32, #tpu.memory_space<vmem>>, %arg9: memref<1x128xf32, #tpu.memory_space<vmem>>, %arg10: memref<1x128xi32, #tpu.memory_space<vmem>>, %arg11: memref<128x128xf32, #tpu.memory_space<vmem>>, %arg12: memref<128x128xf32, #tpu.memory_space<vmem>>, %arg13: memref<128x128xf32, #tpu.memory_space<vmem>>, %arg14: memref<128x128xf32, #tpu.memory_space<vmem>>, %arg15: memref<1x1xf32, #tpu.memory_space<smem>>) attributes {dimension_semantics = [], scalar_prefetch = 0 : i64, scratch_operands = 0 : i64, tpu.core_type = #tpu.core_type<tc>} {
    %get3A = arith.constant 0 : index
    %get3A_0 = arith.constant 0 : index
    %get3A_1 = vector.load %arg0[%get3A, %get3A_0] : memref<128x256xf32, #tpu.memory_space<vmem>>, vector<128x256xf32>
    %get3A_2 = arith.constant 0 : index
    %get3A_3 = arith.constant 0 : index
    %get3A_4 = vector.load %arg2[%get3A_2, %get3A_3] : memref<128x256xf32, #tpu.memory_space<vmem>>, vector<128x256xf32>
    %dot_general3A = arith.constant dense<0.000000e+00> : vector<128x128xf32>
    %dot_general3A_5 = tpu.matmul %get3A_1, %get3A_4, %dot_general3A {dimension_numbers = #tpu.dot_dimension_numbers<[1], [1], [0], [0], [0, 0, 1, 0], [], []>, transpose_lhs_hint = false} : vector<128x256xf32>, vector<128x256xf32>, vector<128x128xf32> -> vector<128x128xf32>
    %get3A_6 = arith.constant 0 : index
    %get3A_7 = arith.constant 0 : index
    %get3A_8 = vector.load %arg3[%get3A_6, %get3A_7] : memref<1x128xf32, #tpu.memory_space<vmem>>, vector<1x128xf32>
    %add3A = vector.broadcast %get3A_8 : vector<1x128xf32> to vector<128x128xf32>
    %add3A_9 = arith.addf %dot_general3A_5, %add3A : vector<128x128xf32>
    %mul3A = arith.mulf %add3A_9, %add3A_9 : vector<128x128xf32>
    %reduce_sum3A = arith.constant dense<0.000000e+00> : vector<128xf32>
    %reduce_sum3A_10 = vector.multi_reduction <add>, %mul3A, %reduce_sum3A [1] : vector<128x128xf32> to vector<128xf32>
    %broadcast_in_dim3A = vector.shape_cast %reduce_sum3A_10 : vector<128xf32> to vector<128x1xf32>
    %rsqrt3A = math.rsqrt %broadcast_in_dim3A : vector<128x1xf32>
    %mul3A_11 = vector.broadcast %rsqrt3A : vector<128x1xf32> to vector<128x128xf32>
    %mul3A_12 = arith.mulf %add3A_9, %mul3A_11 : vector<128x128xf32>
    %get3A_13 = arith.constant 0 : index
    %get3A_14 = arith.constant 0 : index
    %get3A_15 = vector.load %arg1[%get3A_13, %get3A_14] : memref<128x256xf32, #tpu.memory_space<vmem>>, vector<128x256xf32>
    %get3A_16 = arith.constant 0 : index
    %get3A_17 = arith.constant 0 : index
    %get3A_18 = vector.load %arg4[%get3A_16, %get3A_17] : memref<128x256xf32, #tpu.memory_space<vmem>>, vector<128x256xf32>
    %dot_general3A_19 = arith.constant dense<0.000000e+00> : vector<128x128xf32>
    %dot_general3A_20 = tpu.matmul %get3A_15, %get3A_18, %dot_general3A_19 {dimension_numbers = #tpu.dot_dimension_numbers<[1], [1], [0], [0], [0, 0, 1, 0], [], []>, transpose_lhs_hint = false} : vector<128x256xf32>, vector<128x256xf32>, vector<128x128xf32> -> vector<128x128xf32>
    %get3A_21 = arith.constant 0 : index
    %get3A_22 = arith.constant 0 : index
    %get3A_23 = vector.load %arg5[%get3A_21, %get3A_22] : memref<1x128xf32, #tpu.memory_space<vmem>>, vector<1x128xf32>
    %add3A_24 = vector.broadcast %get3A_23 : vector<1x128xf32> to vector<128x128xf32>
    %add3A_25 = arith.addf %dot_general3A_20, %add3A_24 : vector<128x128xf32>
    %mul3A_26 = arith.mulf %add3A_25, %add3A_25 : vector<128x128xf32>
    %reduce_sum3A_27 = arith.constant dense<0.000000e+00> : vector<128xf32>
    %reduce_sum3A_28 = vector.multi_reduction <add>, %mul3A_26, %reduce_sum3A_27 [1] : vector<128x128xf32> to vector<128xf32>
    %broadcast_in_dim3A_29 = vector.shape_cast %reduce_sum3A_28 : vector<128xf32> to vector<128x1xf32>
    %rsqrt3A_30 = math.rsqrt %broadcast_in_dim3A_29 : vector<128x1xf32>
    %mul3A_31 = vector.broadcast %rsqrt3A_30 : vector<128x1xf32> to vector<128x128xf32>
    %mul3A_32 = arith.mulf %add3A_25, %mul3A_31 : vector<128x128xf32>
    %swap3A = arith.constant 0 : index
    %swap3A_33 = arith.constant 0 : index
    %swap3A_34 = vector.load %arg11[%swap3A, %swap3A_33] : memref<128x128xf32, #tpu.memory_space<vmem>>, vector<128x128xf32>
    tpu.vector_store %arg11[%swap3A, %swap3A_33], %mul3A_12 {strides = array<i32>} : memref<128x128xf32, #tpu.memory_space<vmem>>, vector<128x128xf32>,
    %swap3A_35 = arith.constant 0 : index
    %swap3A_36 = arith.constant 0 : index
    %swap3A_37 = vector.load %arg12[%swap3A_35, %swap3A_36] : memref<128x128xf32, #tpu.memory_space<vmem>>, vector<128x128xf32>
    tpu.vector_store %arg12[%swap3A_35, %swap3A_36], %mul3A_32 {strides = array<i32>} : memref<128x128xf32, #tpu.memory_space<vmem>>, vector<128x128xf32>,
    %get3A_38 = arith.constant 0 : index
    %get3A_39 = arith.constant 0 : index
    %get3A_40 = vector.load %arg6[%get3A_38, %get3A_39] : memref<128x128xf32, #tpu.memory_space<vmem>>, vector<128x128xf32>
    %mul3A_41 = arith.mulf %mul3A_32, %get3A_40 : vector<128x128xf32>
    %get3A_42 = arith.constant 0 : index
    %get3A_43 = arith.constant 0 : index
    %get3A_44 = vector.load %arg8[%get3A_42, %get3A_43] : memref<128x128xf32, #tpu.memory_space<vmem>>, vector<128x128xf32>
    %dot_general3A_45 = arith.constant dense<0.000000e+00> : vector<128x128xf32>
    %dot_general3A_46 = tpu.matmul %mul3A_41, %get3A_44, %dot_general3A_45 {dimension_numbers = #tpu.dot_dimension_numbers<[1], [1], [0], [0], [0, 0, 1, 0], [], []>, transpose_lhs_hint = false} : vector<128x128xf32>, vector<128x128xf32>, vector<128x128xf32> -> vector<128x128xf32>
    %get3A_47 = arith.constant 0 : index
    %get3A_48 = arith.constant 0 : index
    %get3A_49 = vector.load %arg9[%get3A_47, %get3A_48] : memref<1x128xf32, #tpu.memory_space<vmem>>, vector<1x128xf32>
    %add3A_50 = vector.broadcast %get3A_49 : vector<1x128xf32> to vector<128x128xf32>
    %add3A_51 = arith.addf %dot_general3A_46, %add3A_50 : vector<128x128xf32>
    %mul3A_52 = arith.mulf %add3A_51, %add3A_51 : vector<128x128xf32>
    %reduce_sum3A_53 = arith.constant dense<0.000000e+00> : vector<128xf32>
    %reduce_sum3A_54 = vector.multi_reduction <add>, %mul3A_52, %reduce_sum3A_53 [1] : vector<128x128xf32> to vector<128xf32>
    %broadcast_in_dim3A_55 = vector.shape_cast %reduce_sum3A_54 : vector<128xf32> to vector<128x1xf32>
    %rsqrt3A_56 = math.rsqrt %broadcast_in_dim3A_55 : vector<128x1xf32>
    %mul3A_57 = vector.broadcast %rsqrt3A_56 : vector<128x1xf32> to vector<128x128xf32>
    %mul3A_58 = arith.mulf %add3A_51, %mul3A_57 : vector<128x128xf32>
    %get3A_59 = arith.constant 0 : index
    %get3A_60 = arith.constant 0 : index
    %get3A_61 = vector.load %arg7[%get3A_59, %get3A_60] : memref<128x128xf32, #tpu.memory_space<vmem>>, vector<128x128xf32>
    %mul3A_62 = arith.mulf %mul3A_12, %get3A_61 : vector<128x128xf32>
    %get3A_63 = arith.constant 0 : index
    %get3A_64 = arith.constant 0 : index
    %get3A_65 = vector.load %arg8[%get3A_63, %get3A_64] : memref<128x128xf32, #tpu.memory_space<vmem>>, vector<128x128xf32>
    %dot_general3A_66 = arith.constant dense<0.000000e+00> : vector<128x128xf32>
    %dot_general3A_67 = tpu.matmul %mul3A_62, %get3A_65, %dot_general3A_66 {dimension_numbers = #tpu.dot_dimension_numbers<[1], [1], [0], [0], [0, 0, 1, 0], [], []>, transpose_lhs_hint = false} : vector<128x128xf32>, vector<128x128xf32>, vector<128x128xf32> -> vector<128x128xf32>
    %get3A_68 = arith.constant 0 : index
    %get3A_69 = arith.constant 0 : index
    %get3A_70 = vector.load %arg9[%get3A_68, %get3A_69] : memref<1x128xf32, #tpu.memory_space<vmem>>, vector<1x128xf32>
    %add3A_71 = vector.broadcast %get3A_70 : vector<1x128xf32> to vector<128x128xf32>
    %add3A_72 = arith.addf %dot_general3A_67, %add3A_71 : vector<128x128xf32>
    %mul3A_73 = arith.mulf %add3A_72, %add3A_72 : vector<128x128xf32>
    %reduce_sum3A_74 = arith.constant dense<0.000000e+00> : vector<128xf32>
    %reduce_sum3A_75 = vector.multi_reduction <add>, %mul3A_73, %reduce_sum3A_74 [1] : vector<128x128xf32> to vector<128xf32>
    %broadcast_in_dim3A_76 = vector.shape_cast %reduce_sum3A_75 : vector<128xf32> to vector<128x1xf32>
    %rsqrt3A_77 = math.rsqrt %broadcast_in_dim3A_76 : vector<128x1xf32>
    %mul3A_78 = vector.broadcast %rsqrt3A_77 : vector<128x1xf32> to vector<128x128xf32>
    %mul3A_79 = arith.mulf %add3A_72, %mul3A_78 : vector<128x128xf32>
    %mul3A_80 = arith.mulf %mul3A_58, %mul3A_79 : vector<128x128xf32>
    %reduce_sum3A_81 = arith.constant dense<0.000000e+00> : vector<128xf32>
    %reduce_sum3A_82 = vector.multi_reduction <add>, %mul3A_80, %reduce_sum3A_81 [1] : vector<128x128xf32> to vector<128xf32>
    %div3A = arith.constant 7.000000e-02 : f32
    %div3A_83 = vector.broadcast %div3A : f32 to vector<128xf32>
    %div3A_84 = arith.divf %reduce_sum3A_82, %div3A_83 : vector<128xf32>
    %exp3A = math.exp %div3A_84 : vector<128xf32>
    %div3A_85 = arith.constant 1.000000e+05 : f32
    %div3A_86 = vector.broadcast %div3A_85 : f32 to vector<128xf32>
    %div3A_87 = arith.divf %exp3A, %div3A_86 : vector<128xf32>
    %add3A_88 = arith.constant 1.024000e-02 : f32
    %add3A_89 = vector.broadcast %add3A_88 : f32 to vector<128xf32>
    %add3A_90 = arith.addf %div3A_87, %add3A_89 : vector<128xf32>
    %add3A_91 = arith.constant 1.000000e-07 : f32
    %add3A_92 = vector.broadcast %add3A_91 : f32 to vector<128xf32>
    %add3A_93 = arith.addf %add3A_90, %add3A_92 : vector<128xf32>
    %div3A_94 = arith.divf %div3A_87, %add3A_93 : vector<128xf32>
    %log3A = math.log %div3A_94 : vector<128xf32>
    %reduce_sum3A_95 = vector.shape_cast %log3A : vector<128xf32> to vector<1x128xf32>
    %reduce_sum3A_96 = arith.constant dense<0.000000e+00> : vector<1xf32>
    %reduce_sum3A_97 = vector.multi_reduction <add>, %reduce_sum3A_95, %reduce_sum3A_96 [1] : vector<1x128xf32> to vector<1xf32>
    %reduce_sum3A_98 = vector.shape_cast %reduce_sum3A_97 : vector<1xf32> to vector<1x1xf32>
    %reduce_sum3A_99 = vector.extract %reduce_sum3A_98[0, 0] : f32 from vector<1x1xf32>
    %swap3A_100 = arith.constant 0 : index
    %swap3A_101 = arith.constant 0 : index
    %swap3A_102 = memref.load %arg15[%swap3A_100, %swap3A_101] : memref<1x1xf32, #tpu.memory_space<smem>>
    memref.store %reduce_sum3A_99, %arg15[%swap3A_100, %swap3A_101] : memref<1x1xf32, #tpu.memory_space<smem>>
    %get3A_103 = arith.constant 0 : index
    %get3A_104 = arith.constant 0 : index
    %get3A_105 = vector.load %arg6[%get3A_103, %get3A_104] : memref<128x128xf32, #tpu.memory_space<vmem>>, vector<128x128xf32>
    %mul3A_106 = arith.constant 5.000000e-01 : f32
    %mul3A_107 = vector.broadcast %mul3A_106 : f32 to vector<128x128xf32>
    %mul3A_108 = arith.mulf %mul3A_107, %get3A_105 : vector<128x128xf32>
    %mul3A_109 = arith.constant 5.000000e-01 : f32
    %mul3A_110 = vector.broadcast %mul3A_109 : f32 to vector<128x128xf32>
    %mul3A_111 = arith.mulf %mul3A_110, %mul3A_12 : vector<128x128xf32>
    %add3A_112 = arith.addf %mul3A_108, %mul3A_111 : vector<128x128xf32>
    %mul3A_113 = arith.mulf %add3A_112, %add3A_112 : vector<128x128xf32>
    %reduce_sum3A_114 = arith.constant dense<0.000000e+00> : vector<128xf32>
    %reduce_sum3A_115 = vector.multi_reduction <add>, %mul3A_113, %reduce_sum3A_114 [1] : vector<128x128xf32> to vector<128xf32>
    %broadcast_in_dim3A_116 = vector.shape_cast %reduce_sum3A_115 : vector<128xf32> to vector<128x1xf32>
    %rsqrt3A_117 = math.rsqrt %broadcast_in_dim3A_116 : vector<128x1xf32>
    %mul3A_118 = vector.broadcast %rsqrt3A_117 : vector<128x1xf32> to vector<128x128xf32>
    %mul3A_119 = arith.mulf %add3A_112, %mul3A_118 : vector<128x128xf32>
    %get3A_120 = arith.constant 0 : index
    %get3A_121 = arith.constant 0 : index
    %get3A_122 = vector.load %arg7[%get3A_120, %get3A_121] : memref<128x128xf32, #tpu.memory_space<vmem>>, vector<128x128xf32>
    %mul3A_123 = arith.constant 5.000000e-01 : f32
    %mul3A_124 = vector.broadcast %mul3A_123 : f32 to vector<128x128xf32>
    %mul3A_125 = arith.mulf %mul3A_124, %get3A_122 : vector<128x128xf32>
    %mul3A_126 = arith.constant 5.000000e-01 : f32
    %mul3A_127 = vector.broadcast %mul3A_126 : f32 to vector<128x128xf32>
    %mul3A_128 = arith.mulf %mul3A_127, %mul3A_32 : vector<128x128xf32>
    %add3A_129 = arith.addf %mul3A_125, %mul3A_128 : vector<128x128xf32>
    %mul3A_130 = arith.mulf %add3A_129, %add3A_129 : vector<128x128xf32>
    %reduce_sum3A_131 = arith.constant dense<0.000000e+00> : vector<128xf32>
    %reduce_sum3A_132 = vector.multi_reduction <add>, %mul3A_130, %reduce_sum3A_131 [1] : vector<128x128xf32> to vector<128xf32>
    %broadcast_in_dim3A_133 = vector.shape_cast %reduce_sum3A_132 : vector<128xf32> to vector<128x1xf32>
    %rsqrt3A_134 = math.rsqrt %broadcast_in_dim3A_133 : vector<128x1xf32>
    %mul3A_135 = vector.broadcast %rsqrt3A_134 : vector<128x1xf32> to vector<128x128xf32>
    %mul3A_136 = arith.mulf %add3A_129, %mul3A_135 : vector<128x128xf32>
    %get3A_137 = arith.constant 0 : index
    %get3A_138 = arith.constant 0 : index
    %get3A_139 = vector.load %arg10[%get3A_137, %get3A_138] : memref<1x128xi32, #tpu.memory_space<vmem>>, vector<1x128xi32>
    %get3A_140 = vector.shape_cast %get3A_139 : vector<1x128xi32> to vector<128xi32>
    %broadcast_in_dim3A_141 = vector.shape_cast %get3A_140 : vector<128xi32> to vector<128x1xi32>
    %broadcast_in_dim3A_142 = vector.shape_cast %get3A_140 : vector<128xi32> to vector<1x128xi32>
    %eq3A = vector.broadcast %broadcast_in_dim3A_141 : vector<128x1xi32> to vector<128x128xi32>
    %eq3A_143 = vector.broadcast %broadcast_in_dim3A_142 : vector<1x128xi32> to vector<128x128xi32>
    %eq3A_144 = arith.cmpi eq, %eq3A, %eq3A_143 : vector<128x128xi32>
    %iota3A = tpu.iota {dimensions = array<i32: 1>} : vector<128x128xi32>
    %jit3A = arith.constant -1 : i32
    %broadcast_in_dim3A_145 = vector.broadcast %jit3A : i32 to vector<128x128xi32>
    %select_n3A = arith.select %eq3A_144, %iota3A, %broadcast_in_dim3A_145 : vector<128x128xi1>, vector<128x128xi32>
    %reduce_max3A = arith.constant dense<-2147483648> : vector<128xi32>
    %reduce_max3A_146 = vector.multi_reduction <maxsi>, %select_n3A, %reduce_max3A [1] : vector<128x128xi32> to vector<128xi32>
    %broadcast_in_dim3A_147 = vector.shape_cast %reduce_max3A_146 : vector<128xi32> to vector<128x1xi32>
    %eq3A_148 = vector.broadcast %broadcast_in_dim3A_147 : vector<128x1xi32> to vector<128x128xi32>
    %eq3A_149 = arith.cmpi eq, %iota3A, %eq3A_148 : vector<128x128xi32>
    %convert_element_type3A = arith.extui %eq3A_149 : vector<128x128xi1> to vector<128x128xi32>
    %convert_element_type3A_150 = arith.sitofp %convert_element_type3A : vector<128x128xi32> to vector<128x128xf32>
    %dot_general3A_151 = arith.constant dense<0.000000e+00> : vector<128x128xf32>
    %dot_general3A_152 = tpu.matmul %convert_element_type3A_150, %mul3A_119, %dot_general3A_151 {dimension_numbers = #tpu.dot_dimension_numbers<[1], [0], [0], [1], [0, 0, 1, 1], [], []>, precision = #tpu.contract_precision<fp32>, transpose_lhs_hint = false} : vector<128x128xf32>, vector<128x128xf32>, vector<128x128xf32> -> vector<128x128xf32>
    %swap3A_153 = arith.constant 0 : index
    %swap3A_154 = arith.constant 0 : index
    %swap3A_155 = vector.load %arg13[%swap3A_153, %swap3A_154] : memref<128x128xf32, #tpu.memory_space<vmem>>, vector<128x128xf32>
    tpu.vector_store %arg13[%swap3A_153, %swap3A_154], %dot_general3A_152 {strides = array<i32>} : memref<128x128xf32, #tpu.memory_space<vmem>>, vector<128x128xf32>,
    %dot_general3A_156 = arith.constant dense<0.000000e+00> : vector<128x128xf32>
    %dot_general3A_157 = tpu.matmul %convert_element_type3A_150, %mul3A_136, %dot_general3A_156 {dimension_numbers = #tpu.dot_dimension_numbers<[1], [0], [0], [1], [0, 0, 1, 1], [], []>, precision = #tpu.contract_precision<fp32>, transpose_lhs_hint = false} : vector<128x128xf32>, vector<128x128xf32>, vector<128x128xf32> -> vector<128x128xf32>
    %swap3A_158 = arith.constant 0 : index
    %swap3A_159 = arith.constant 0 : index
    %swap3A_160 = vector.load %arg14[%swap3A_158, %swap3A_159] : memref<128x128xf32, #tpu.memory_space<vmem>>, vector<128x128xf32>
    tpu.vector_store %arg14[%swap3A_158, %swap3A_159], %dot_general3A_157 {strides = array<i32>} : memref<128x128xf32, #tpu.memory_space<vmem>>, vector<128x128xf32>,
    return
  }
}

</mosaic_0001>

<sc_bundles>
// kernel: kernel.10.cloned.1.call-start
scs
__scs_entry_jumppad:
0x0: {  	(pc) =	sbr.rel $0x88, $3  }
0x1: {  	(tag) =	ssettag $0x0;
	lr =	simm.s32 $0x1  }
0x2: {  	[smem:$0x3F95] =	sst lr;
	_ =	strace $0xD0000000  }
0x3: {  	_ = 	snop  }
0x4: {  	_ = 	snop  }
0x5: {  	_ = 	snop  }
0x6: {  	_ = 	snop  }
0x7: {  	_ = 	snop  }
__scs_overlays_trampoline_lowered:
0x8: {  	[smem:$0x3FA4] =	sst s0  }
0x9: {  	[smem:$0x3FA5] =	sst s1  }
0xa: {  	[smem:$0x3FA6] =	sst s2  }
0xb: {  	[smem:$0x3FA7] =	sst s3  }
0xc: {  	[smem:$0x3FA8] =	sst s4  }
0xd: {  	[smem:$0x3FA9] =	sst s5  }
0xe: {  	[smem:$0x3FAA] =	sst s6  }
0xf: {  	[smem:$0x3FAB] =	sst s7  }
0x10: {  	[smem:$0x3FAC] =	sst s8  }
0x11: {  	[smem:$0x3FAD] =	sst s9;
	s0 =	simm.s32 @!p0 $0x0  }
0x12: {  	s1 =	sld [smem:$0x3F93];
	s0 =	simm.s32 @p0 $0x1  }
0x13: {  	[smem:$0x3FAE] =	sst s0;
	s0 =	simm.s32 @!p1 $0x0  }
0x14: {  	s2 =	sld [smem:$0x3F92];
	s0 =	simm.s32 @p1 $0x1  }
0x15: {  	[smem:$0x3FAF] =	sst s0;
	s0 =	simm.s32 @!p2 $0x0  }
0x16: {  	s3 =	sld [smem:$0x3FDB];
	s0 =	simm.s32 @p2 $0x1  }
0x17: {  	s4 =	simm.s32 $0x1BF5;
	[smem:$0x3FB1] =	sst s0  }
0x18: {  	s0 =	sld [smem:$0x3F94];
	_ =	swait.ge [sflag:s4], $0x0  }
0x19: {  	s7 =	sld [smem:$0x3F95]  }
0x1a: {  	s8 =	sadd.s32 $0xFFFFE003, lr  }
0x1b: {  	s9 =	sadd.s32 $0xFFFFFEF7, lr;
	s5 =	simm.s32 $0xFFFFFFFF;
	p2 =	slt.u32 s8, $0xFFFFF086  }
0x1c: {  	p1 =	slt.u32 s9, $0xF7A;
	s5 =	simm.s32 @!p2 $0x0  }
0x1d: {  	s5 =	simm.s32 @p1 $0x1;
	p0 =	seq.s32 s7, s2  }
0x1e: {  	s7 =	smul.u32 @!p0 $0xF7A, s2;
	p2 =	seq.s32 @!p0 s5, $0x0  }
0x1f: {  	s9 =	smul.u32 $0xF7A, s1;
	s8 =	simm.s32 @!p0 $0x1BF5;
	p2 =	por !p2, p0  }
0x20: {  	[sflag:s8] =	ssyncset.s32 @!p0 $0xFFFFF086;
	s6 =	sadd.s32 @!p0 s3, s7;
	s7 =	simm.s32 @!p0 $0x108  }
0x21: {  	s3 =	sadd.s32 s3, s9;
	s6 =	sadd.s32 @!p0 $0x88, s6;
	s7 =	simm.s32 @p2 $0x1082  }
0x22: {  	[simem:s7], [sflag:s8] =	dma.local @!p0 [hbm:s6], $0xF7A  }
0x23: {  	s9 =	sor.u32 $0xD0000000, s2;
	s6 =	simm.s32 $0x108;
	_ =	swait.ge @!p0 [sflag:s8], $0x0  }
0x24: {  	s3 =	sadd.s32 $0x88, s3;
	s6 =	simm.s32 @!p1 $0x1082;
	[sflag:s4] =	ssyncset.s32 $0xFFFFF086  }
0x25: {  	[simem:s6], [sflag:s4] =	dma.local [hbm:s3], $0xF7A  }
0x26: {  	[smem:$0x3F95] =	sst s1;
	(tag) =	ssettag s2;
	_ =	strace s9  }
0x27: {  	s1 =	sld [smem:$0x3FA5]  }
0x28: {  	s2 =	sld [smem:$0x3FA6]  }
0x29: {  	s4 =	sld [smem:$0x3FA8]  }
0x2a: {  	p0 =	seq.s32 s5, $0x0;
	s5 =	sld [smem:$0x3FA9]  }
0x2b: {  	s6 =	sld [smem:$0x3FAA]  }
0x2c: {  	s7 =	sld [smem:$0x3FAB]  }
0x2d: {  	s3 =	simm.s32 $0x108;
	s8 =	sld [smem:$0x3FAC]  }
0x2e: {  	s3 =	simm.s32 @!p0 $0x1082;
	s9 =	sld [smem:$0x3FAD]  }
0x2f: {  	lr =	sadd.s32 s0, s3;
	s0 =	sld [smem:$0x3FA4]  }
0x30: {  	s3 =	sld [smem:$0x3FA7]  }
0x31: {  	[smem:$0x3FB0] =	sst s10  }
0x32: {  	s10 =	sld [smem:$0x3FAE];
	_ =	sdelay $0x3  }
0x33: {  	p0 =	seq.s32 s10, $0x1;
	s10 =	sld [smem:$0x3FB0];
	_ =	sdelay $0x3  }
0x34: {  	[smem:$0x3FB0] =	sst s10  }
0x35: {  	s10 =	sld [smem:$0x3FAF];
	_ =	sdelay $0x3  }
0x36: {  	p1 =	seq.s32 s10, $0x1;
	s10 =	sld [smem:$0x3FB0];
	_ =	sdelay $0x3  }
0x37: {  	[smem:$0x3FB0] =	sst s10  }
0x38: {  	s10 =	sld [smem:$0x3FB1]  }
0x39: {  	_ = 	snop;
	(pc) =	sbr.ind lr, $3  }
0x3a: {  	_ = 	snop  }
0x3b: {  	_ = 	snop  }
0x3c: {  	p2 =	seq.s32 s10, $0x1;
	s10 =	sld [smem:$0x3FB0]  }
0x3d: {  	_ =	shalt  }
0x3e: {  	_ =	shalt  }
0x3f: {  	_ =	shalt  }
0x40: {  	_ =	shalt  }
0x41: {  	_ =	shalt  }
0x42: {  	_ =	shalt  }
0x43: {  	_ =	shalt  }
0x44: {  	_ =	shalt  }
0x45: {  	_ =	shalt  }
0x46: {  	_ =	shalt  }
0x47: {  	_ =	shalt  }
0x48: {  	_ =	shalt  }
0x49: {  	_ =	shalt  }
0x4a: {  	_ =	shalt  }
0x4b: {  	_ =	shalt  }
0x4c: {  	_ =	shalt  }
0x4d: {  	_ =	shalt  }
0x4e: {  	_ =	shalt  }
0x4f: {  	_ =	shalt  }
0x50: {  	_ =	shalt  }
0x51: {  	_ =	shalt  }
0x52: {  	_ =	shalt  }
0x53: {  	_ =	shalt  }
0x54: {  	_ =	shalt  }
0x55: {  	_ =	shalt  }
0x56: {  	_ =	shalt  }
0x57: {  	_ =	shalt  }
0x58: {  	_ =	shalt  }
0x59: {  	_ =	shalt  }
0x5a: {  	_ =	shalt  }
0x5b: {  	_ =	shalt  }
0x5c: {  	_ =	shalt  }
0x5d: {  	_ =	shalt  }
0x5e: {  	_ =	shalt  }
0x5f: {  	_ =	shalt  }
0x60: {  	_ =	shalt  }
0x61: {  	_ =	shalt  }
0x62: {  	_ =	shalt  }
0x63: {  	_ =	shalt  }
0x64: {  	_ =	shalt  }
0x65: {  	_ =	shalt  }
0x66: {  	_ =	shalt  }
0x67: {  	_ =	shalt  }
0x68: {  	_ =	shalt  }
0x69: {  	_ =	shalt  }
0x6a: {  	_ =	shalt  }
0x6b: {  	_ =	shalt  }
0x6c: {  	_ =	shalt  }
0x6d: {  	_ =	shalt  }
0x6e: {  	_ =	shalt  }
0x6f: {  	_ =	shalt  }
0x70: {  	_ =	shalt  }
0x71: {  	_ =	shalt  }
0x72: {  	_ =	shalt  }
0x73: {  	_ =	shalt  }
0x74: {  	_ =	shalt  }
0x75: {  	_ =	shalt  }
0x76: {  	_ =	shalt  }
0x77: {  	_ =	shalt  }
0x78: {  	_ =	shalt  }
0x79: {  	_ =	shalt  }
0x7a: {  	_ =	shalt  }
0x7b: {  	_ =	shalt  }
0x7c: {  	_ =	shalt  }
0x7d: {  	_ =	shalt  }
0x7e: {  	_ =	shalt  }
0x7f: {  	_ =	shalt  }
0x80: {  	_ =	shalt  }
0x81: {  	_ =	shalt  }
0x82: {  	_ =	shalt  }
0x83: {  	_ =	shalt  }
0x84: {  	_ =	shalt  }
0x85: {  	_ =	shalt  }
0x86: {  	_ =	shalt  }
0x87: {  	_ =	shalt  }
.Lfunc_end0:
.L_simem_size_0:
called_computation.1_lowered:
.L_overlay_start_0:
0x88: {  	s2 =	sld [smem:$0x3FD9]  }
0x89: {  	s3 =	sld [smem:$0x3FFE];
	_ =	sdelay $0x1  }
0x8a: {  	s1 =	srdreg.scid  }
0x8b: {  	s0 =	sand.u32 $0x1, s1  }
0x8c: {  	s15 =	sshll.u32 s0, $0xA;
	s2 =	sadd.s32 s3, s2  }
0x8d: {  	s2 =	sadd.s32 s2, s15  }
0x8e: {  	[smem:$0x3FBC] =	sst s2  }
0x8f: {  	_ = 	snop  }
0x90: {  	s4 =	sld [smem:$0x3FD0];
	_ =	sdelay $0x1  }
0x91: {  	s2 =	sld [smem:$0x3FC1]  }
0x92: {  	s5 =	simm.s32 $0xB;
	s6 =	simm.s32 $0x10;
	s16 =	sld [smem:$0x3FC0]  }
0x93: {  	[smem:s6], [sflag:s5] =	dma.local [hbm:s4], $0x1  }
0x94: {  	_ =	swait.eq [sflag:s5], $0x1  }
0x95: {  	[sflag:s5] =	ssyncset.done $0x0  }
0x96: {  	[sflag:s5] =	ssyncadd.s32 $0xFFFFFFFF  }
0x97: {  	s17 =	sld [smem:$0x12];
	(tm) =	ssettm $0x1  }
0x98: {  	s18 =	sld [smem:$0x3FFB];
	_ =	sdelay $0x3  }
0x99: {  	_ =	strace s18  }
0x9a: {  	s4 =	sld [smem:$0x3FFC];
	_ =	sdelay $0x3  }
0x9b: {  	_ =	strace s4  }
0x9c: {  	s4 =	sld [smem:$0x3FFD];
	_ =	sdelay $0x3  }
0x9d: {  	_ =	strace s4  }
0x9e: {  	_ =	strace $0x8FFFFFFF  }
0x9f: {  	s19 =	sld [smem:$0x3FDB];
	_ =	sdelay $0x1  }
0xa0: {  	s20 =	simm.s32 $_scs_section_size  }
0xa1: {  	s7 =	simm.s32 $_size__tile_overlayer_lowered;
	s8 =	simm.s32 $_tile_overlayer_lowered  }
0xa2: {  	s9 =	simm.s32 $0x1BFF;
	s21 =	sshll.u32 s8, $0x1;
	s6 =	sadd.s32 s20, s19  }
0xa3: {  	s22 =	simm.s32 $0x0;
	s7 =	sshll.u32 s7, $0x1;
	s8 =	sadd.s32 s21, s6  }
0xa4: {  	[timem:s22], [sflag:s9] =	dma.local [hbm:s8], s7  }
0xa5: {  	_ =	swait.ge [sflag:s9], s7  }
0xa6: {  	s7 =	ssub.s32 $0x0, s7;
	[sflag:s9] =	ssyncset.done $0x0  }
0xa7: {  	[sflag:s9] =	ssyncadd.s32 s7;
	_ =	sdelay $0x1  }
0xa8: {  	s23 =	simm.s32 $0x1B8B  }
0xa9: {  	_ =	swait.ge [sflag:s23], $0x1  }
0xaa: {  	[sflag:s23] =	ssyncset.done $0x0  }
0xab: {  	[sflag:s23] =	ssyncadd.s32 $0xFFFFFFFF  }
0xac: {  	s7 =	sld [smem:$0x0]  }
0xad: {  	s8 =	sand.u32 $0xFFFFFFFE, s1  }
0xae: {  	p0 =	sne.s32 s1, s8  }
0xaf: {  	s8 =	sshll.u32 @p0 s8, $0xE  }
0xb0: {  	s8 =	sadd.s32 @p0 $0x11B8D, s8;
	s9 =	sshll.u32 @p0 s7, $0x11  }
0xb1: {  	s8 =	sor.u32 @p0 s9, s8  }
0xb2: {  	[sflag:s8] =	ssyncadd.remote.s32 @p0 $0x1;
	_ =	sdelay $0x1  }
0xb3: {  	s8 =	simm.s32 @p0 $0x1B8D  }
0xb4: {  	_ =	swait.eq @p0 [sflag:s8], $0x1  }
0xb5: {  	[sflag:s8] =	ssyncadd.s32 @p0 $0xFFFFFFFF  }
0xb6: {  	s9 =	sshll.u32 @!p0 s1, $0xE  }
0xb7: {  	s9 =	sor.u32 @!p0 $0x4000, s9;
	s8 =	simm.s32 @!p0 $0x1B8D  }
0xb8: {  	s7 =	sshll.u32 @!p0 s7, $0x11;
	s9 =	sadd.s32 @!p0 $0x11B8D, s9;
	_ =	swait.eq @!p0 [sflag:s8], $0x1  }
0xb9: {  	s7 =	sor.u32 @!p0 s7, s9;
	[sflag:s8] =	ssyncadd.s32 @!p0 $0xFFFFFFFF  }
0xba: {  	s25 =	simm.s32 $0x1B8E;
	s24 =	sld [smem:$0x3FFE];
	[sflag:s7] =	ssyncadd.remote.s32 @!p0 $0x1  }
0xbb: {  	s26 =	simm.s32 $execute0_lowered;
	[smem:$0x3FD2] =	sst s25  }
0xbc: {  	s8 =	sshll.u32 s26, $0x1;
	_ =	strace $0x80000049;
	[dreg:$0x1] =	wrdreg $0xFFFFFFFF  }
0xbd: {  	s28 =	simm.s32 $_size_execute0_lowered;
	s6 =	sadd.s32 s6, s8;
	[dreg:$0x0] =	wrdreg $0x0  }
0xbe: {  	s8 =	sshll.u32 s28, $0x1;
	[dreg:$0x2] =	wrdreg s6  }
0xbf: {  	[dreg:$0x3] =	wrdreg s8  }
0xc0: {  	[dreg:$0x4] =	wrdreg $0xC0  }
0xc1: {  	_ =	task [dreg:s22], $0x5FFFF  }
0xc2: {  	[dreg:$0x1] =	wrdreg $0xFFFFFFFF  }
0xc3: {  	[dreg:$0x0] =	wrdreg $0x60  }
0xc4: {  	[dreg:$0x2] =	wrdreg s2  }
0xc5: {  	[dreg:$0x3] =	wrdreg s16  }
0xc6: {  	[dreg:$0x4] =	wrdreg s17  }
0xc7: {  	[dreg:$0x5] =	wrdreg s24  }
0xc8: {  	[dreg:$0x6] =	wrdreg $0xA  }
0xc9: {  	_ =	task.clear_ibuf [dreg:s22], $0x7FFFF;
	_ =	strace $0x90000049  }
0xca: {  	s29 =	simm.s32 $0xA;
	_ =	strace $0x8000004B  }
0xcb: {  	_ =	swait.ge [sflag:s29], $0x1  }
0xcc: {  	[sflag:s29] =	ssyncadd.s32 $0xFFFFFFFF  }
0xcd: {  	_ =	strace $0x9000004B  }
0xce: {  	_ =	sfence  }
0xcf: {  	s30 =	sld [smem:$0x0];
	_ =	sdelay $0x2  }
0xd0: {  	s31 =	sshll.u32 s1, $0xD;
	s1 =	sshrl.u32 s1, $0x2  }
0xd1: {  	s3 =	sand.u32 $0x4000, s31;
	s1 =	sadd.s32 s1, s30  }
0xd2: {  	s0 =	sor.u32 s3, s0;
	s1 =	sshll.u32 s1, $0x11  }
0xd3: {  	s0 =	sor.u32 s1, s0  }
0xd4: {  	s0 =	sadd.s32 $0x8F2B, s0  }
0xd5: {  	[sflag:s0] =	ssyncadd.remote.s32 $0x1  }
0xd6: {  	_ =	sfence.sel $0xFFFF  }
0xd7: {  	[dreg:$0x0] =	wrdreg $0xFFFFFFFF;
	(pc) =	sbr.abs _section_cstart, $3  }
0xd8: {  	[dreg:$0x1] =	wrdreg $0xFFFFFFFF  }
0xd9: {  	_ =	task.clear_ibuf [dreg:s22], $0x2FFFF;
	_ =	strace $0x9FFFFFFF  }
0xda: {  	(tm) =	ssettm $0x7FFFFFFF  }
0xdb: {  	_ =	shalt  }
tec
execute0_lowered:
.L_overlay_start_1:
0x0: {  	(tag) =	ssettag $0x1  }
0x1: {  	s1 =	rddreg [dreg:$0x0]  }
0x2: {  	s2 =	rddreg [dreg:$0x1]  }
0x3: {  	s5 =	rddreg [dreg:$0x2]  }
0x4: {  	s6 =	rddreg [dreg:$0x3];
	s4 =	simm.s32 $0x0  }
0x5: {  	s7 =	srdreg.scid;
	s0 =	stileid.u32;
	s17 =	simm.s32 $0x5000  }
0x6: {  	s18 =	simm.s32 $0xD000;
	s19 =	simm.s32 $0x1;
	s20 =	simm.s32 $0x3  }
0x7: {  	s21 =	simm.s32 $0x5;
	s22 =	simm.s32 $0x7;
	s23 =	simm.s32 $0x2  }
0x8: {  	s24 =	simm.s32 $0x4;
	s25 =	simm.s32 $0x6;
	s28 =	simm.s32 $0x0  }
0x9: {  	[smem:$0x7FF] =	sst s4;
	s10 =	sand.u32 $0x1, s7;
	s11 =	sadd.s32 $0x3600, s6  }
0xa: {  	s26 =	sshll.u32 s0, $0xD;
	s12 =	sadd.s32 $0x203600, s6;
	s14 =	sshll.u32 s0, $0x11  }
0xb: {  	_ =	strace $0x8000004A;
	s8 =	sshll.u32 s10, $0xC;
	s29 =	ssub.s32 $0x2, s10  }
0xc: {  	s15 =	sadd.s32 s14, s12;
	s16 =	sshll.u32 s10, $0x10;
	s14 =	sadd.s32 s14, s11  }
0xd: {  	s7 =	sor.u32 s8, s26;
	s30 =	sshrl.u32 s29, $0x1;
	s26 =	simm.s32 $0x8  }
0xe: {  	s9 =	sshrl.u32 s7, $0x3;
	s13 =	sshll.u32 s7, $0x4;
	s6 =	ssub.s32 s29, s30  }
0xf: {  	s3 =	sadd.s32 s5, s9;
	s31 =	sor.u32 $0xF000, s13;
	s6 =	smax.u32 s6, $0x1  }
0x10: {  	s13 =	sor.u32 $0xF800, s13;
	[dreg:$0x5] =	wrdreg s3;
	s7 =	sadd.s32 s11, s31  }
0x11: {  	s8 =	sadd.s32 s12, s31;
	s9 =	sadd.s32 s11, s13;
	s10 =	sadd.s32 s12, s13  }
0x12: {  	s11 =	sadd.s32 s16, s15;
	s12 =	sadd.s32 s16, s14;
	s13 =	simm.s32 $0x9  }
0x13: {  	s14 =	simm.s32 $0x80;
	s15 =	simm.s32 $0x1000;
	s16 =	simm.s32 $0x9000  }
.LBB2_1:
0x14: {  	s0 =	rddreg [dreg:$0x5]  }
0x15: {  	[tilespmem:s4], [sflag:$0x9] =	stream.linear.gather [hbm4b:s0+s4], $0x1000, $0x38;
	[tilespmem:$0x11000] =	vst v63  }
0x16: {  	_ =	swait.ge [sflag:s13], $0x1000  }
0x17: {  	[sflag:s13] =	ssyncset.done $0x0  }
0x18: {  	[sflag:s13] =	ssyncadd.s32 $0xFFFFF000  }
0x19: {  	[tilespmem:s15], [sflag:$0x1] =	stream.indirect.gather [hbm4b:s1+s14], $0x80, s4, s14, $0xb8;
	[tilespmem:$0x11000] =	vst v63  }
0x1a: {  	_ = 	snop  }
0x1b: {  	[tilespmem:s16], [sflag:$0x3] =	stream.indirect.gather [hbm4b:s2+s14], $0x80, s4, s14, $0xb8;
	[tilespmem:$0x11000] =	vst v63  }
0x1c: {  	_ = 	snop  }
0x1d: {  	[tilespmem:s17], [sflag:$0x2] =	stream.indirect.gather [hbm4b:s1+s14], $0x80, s14, s14, $0xb8;
	[tilespmem:$0x11000] =	vst v63  }
0x1e: {  	_ = 	snop  }
0x1f: {  	[tilespmem:s18], [sflag:$0x4] =	stream.indirect.gather [hbm4b:s2+s14], $0x80, s14, s14, $0xb8;
	[tilespmem:$0x11000] =	vst v63  }
0x20: {  	_ =	swait.ge [sflag:s19], $0x4000  }
0x21: {  	[sflag:s19] =	ssyncset.done $0x0  }
0x22: {  	[sflag:s19] =	ssyncadd.s32 $0xFFFFC000  }
0x23: {  	_ =	swait.ge [sflag:s20], $0x4000  }
0x24: {  	[sflag:s20] =	ssyncset.done $0x0  }
0x25: {  	s29 =	sadd.s32 $0x0, s12;
	[sflag:s20] =	ssyncadd.s32 $0xFFFFC000  }
0x26: {  	[hbm4b:s29+s4] =	stream.linear.scatter [tilespmem:s15], [sflag:$0x5], $0x4000, $0x38;
	[tilespmem:$0x11000] =	vst v63  }
0x27: {  	s30 =	sadd.s32 $0x0, s11  }
0x28: {  	[hbm4b:s30+s4] =	stream.linear.scatter [tilespmem:s16], [sflag:$0x7], $0x4000, $0x38;
	[tilespmem:$0x11000] =	vst v63  }
0x29: {  	_ =	swait.ge [sflag:s21], $0x4000  }
0x2a: {  	[sflag:s21] =	ssyncset.done $0x0  }
0x2b: {  	[sflag:s21] =	ssyncadd.s32 $0xFFFFC000  }
0x2c: {  	_ =	swait.ge [sflag:s22], $0x4000  }
0x2d: {  	[sflag:s22] =	ssyncset.done $0x0  }
0x2e: {  	s31 =	simm.s32 $0x100;
	[sflag:s22] =	ssyncadd.s32 $0xFFFFC000  }
0x2f: {  	[tilespmem:s15], [sflag:$0x1] =	stream.indirect.gather [hbm4b:s1+s14], $0x80, s31, s14, $0xb8;
	[tilespmem:$0x11000] =	vst v63  }
0x30: {  	_ = 	snop  }
0x31: {  	[tilespmem:s16], [sflag:$0x3] =	stream.indirect.gather [hbm4b:s2+s14], $0x80, s31, s14, $0xb8;
	[tilespmem:$0x11000] =	vst v63  }
0x32: {  	_ =	swait.ge [sflag:s23], $0x4000  }
0x33: {  	[sflag:s23] =	ssyncset.done $0x0  }
0x34: {  	[sflag:s23] =	ssyncadd.s32 $0xFFFFC000  }
0x35: {  	_ =	swait.ge [sflag:s24], $0x4000  }
0x36: {  	[sflag:s24] =	ssyncset.done $0x0  }
0x37: {  	s29 =	sadd.s32 $0x800, s29;
	[sflag:s24] =	ssyncadd.s32 $0xFFFFC000  }
0x38: {  	[hbm4b:s29+s4] =	stream.linear.scatter [tilespmem:s17], [sflag:$0x6], $0x4000, $0x38;
	[tilespmem:$0x11000] =	vst v63  }
0x39: {  	s29 =	sadd.s32 $0x800, s30  }
0x3a: {  	[hbm4b:s29+s4] =	stream.linear.scatter [tilespmem:s18], [sflag:$0x8], $0x4000, $0x38;
	[tilespmem:$0x11000] =	vst v63  }
0x3b: {  	_ =	swait.ge [sflag:s25], $0x4000  }
0x3c: {  	[sflag:s25] =	ssyncset.done $0x0  }
0x3d: {  	[sflag:s25] =	ssyncadd.s32 $0xFFFFC000  }
0x3e: {  	_ =	swait.ge [sflag:s26], $0x4000  }
0x3f: {  	s31 =	simm.s32 $0x280;
	[sflag:s26] =	ssyncset.done $0x0  }
0x40: {  	s30 =	simm.s32 $0x1000;
	s29 =	simm.s32 $0x180;
	[sflag:s26] =	ssyncadd.s32 $0xFFFFC000  }
0x41: {  	[tilespmem:s17], [sflag:$0x2] =	stream.indirect.gather [hbm4b:s1+s14], $0x80, s29, s14, $0xb8;
	[tilespmem:$0x11000] =	vst v63  }
.LBB2_2:
0x42: {  	[tilespmem:s18], [sflag:$0x4] =	stream.indirect.gather [hbm4b:s2+s14], $0x80, s29, s14, $0xb8;
	[tilespmem:$0x11000] =	vst v63  }
0x43: {  	s0 =	smov.u32 s30;
	s29 =	smov.u32 s31  }
0x44: {  	p0 =	sne.s32 s30, $0xE000;
	s30 =	sadd.s32 $0x1000, s30;
	_ =	swait.ge [sflag:s19], $0x4000  }
0x45: {  	[sflag:s19] =	ssyncset.done $0x0  }
0x46: {  	[sflag:s19] =	ssyncadd.s32 $0xFFFFC000  }
0x47: {  	_ =	swait.ge [sflag:s20], $0x4000  }
0x48: {  	[sflag:s20] =	ssyncset.done $0x0  }
0x49: {  	s3 =	sadd.s32 s0, s12;
	[sflag:s20] =	ssyncadd.s32 $0xFFFFC000  }
0x4a: {  	[hbm4b:s3+s4] =	stream.linear.scatter [tilespmem:s15], [sflag:$0x5], $0x4000, $0x38;
	[tilespmem:$0x11000] =	vst v63  }
0x4b: {  	s0 =	sadd.s32 s0, s11  }
0x4c: {  	[hbm4b:s0+s4] =	stream.linear.scatter [tilespmem:s16], [sflag:$0x7], $0x4000, $0x38;
	[tilespmem:$0x11000] =	vst v63  }
0x4d: {  	_ =	swait.ge [sflag:s21], $0x4000  }
0x4e: {  	[sflag:s21] =	ssyncset.done $0x0  }
0x4f: {  	[sflag:s21] =	ssyncadd.s32 $0xFFFFC000  }
0x50: {  	_ =	swait.ge [sflag:s22], $0x4000  }
0x51: {  	[sflag:s22] =	ssyncset.done $0x0  }
0x52: {  	s5 =	sadd.s32 $0xFFFFFF80, s31;
	[sflag:s22] =	ssyncadd.s32 $0xFFFFC000  }
0x53: {  	[tilespmem:s15], [sflag:$0x1] =	stream.indirect.gather [hbm4b:s1+s14], $0x80, s5, s14, $0xb8;
	[tilespmem:$0x11000] =	vst v63  }
0x54: {  	_ = 	snop  }
0x55: {  	[tilespmem:s16], [sflag:$0x3] =	stream.indirect.gather [hbm4b:s2+s14], $0x80, s5, s14, $0xb8;
	[tilespmem:$0x11000] =	vst v63  }
0x56: {  	_ =	swait.ge [sflag:s23], $0x4000  }
0x57: {  	[sflag:s23] =	ssyncset.done $0x0  }
0x58: {  	[sflag:s23] =	ssyncadd.s32 $0xFFFFC000  }
0x59: {  	_ =	swait.ge [sflag:s24], $0x4000  }
0x5a: {  	[sflag:s24] =	ssyncset.done $0x0  }
0x5b: {  	s3 =	sadd.s32 $0x800, s3;
	[sflag:s24] =	ssyncadd.s32 $0xFFFFC000  }
0x5c: {  	[hbm4b:s3+s4] =	stream.linear.scatter [tilespmem:s17], [sflag:$0x6], $0x4000, $0x38;
	[tilespmem:$0x11000] =	vst v63  }
0x5d: {  	s0 =	sadd.s32 $0x800, s0  }
0x5e: {  	[hbm4b:s0+s4] =	stream.linear.scatter [tilespmem:s18], [sflag:$0x8], $0x4000, $0x38;
	[tilespmem:$0x11000] =	vst v63  }
0x5f: {  	_ =	swait.ge [sflag:s25], $0x4000  }
0x60: {  	[sflag:s25] =	ssyncset.done $0x0  }
0x61: {  	[sflag:s25] =	ssyncadd.s32 $0xFFFFC000  }
.Ltmp0:
0x62: {  	_ =	swait.ge [sflag:s26], $0x4000;
	(pc) =	sbr.rel @p0 .LBB2_2-.Ltmp0, $4  }
0x63: {  	[sflag:s26] =	ssyncset.done $0x0  }
0x64: {  	[sflag:s26] =	ssyncadd.s32 $0xFFFFC000  }
0x65: {  	[tilespmem:s17], [sflag:$0x2] =	stream.indirect.gather [hbm4b:s1+s14], $0x80, s31, s14, $0xb8;
	[tilespmem:$0x11000] =	vst v63  }
0x66: {  	s31 =	sadd.s32 $0x100, s31  }
0x67: {  	[tilespmem:s18], [sflag:$0x4] =	stream.indirect.gather [hbm4b:s2+s14], $0x80, s29, s14, $0xb8;
	[tilespmem:$0x11000] =	vst v63  }
0x68: {  	_ =	swait.ge [sflag:s19], $0x4000  }
0x69: {  	[sflag:s19] =	ssyncset.done $0x0  }
0x6a: {  	[sflag:s19] =	ssyncadd.s32 $0xFFFFC000  }
0x6b: {  	_ =	swait.ge [sflag:s20], $0x4000  }
0x6c: {  	[sflag:s20] =	ssyncset.done $0x0  }
0x6d: {  	[sflag:s20] =	ssyncadd.s32 $0xFFFFC000  }
0x6e: {  	[hbm4b:s7+s4] =	stream.linear.scatter [tilespmem:s15], [sflag:$0x5], $0x4000, $0x38;
	[tilespmem:$0x11000] =	vst v63  }
0x6f: {  	_ = 	snop  }
0x70: {  	[hbm4b:s8+s4] =	stream.linear.scatter [tilespmem:s16], [sflag:$0x7], $0x4000, $0x38;
	[tilespmem:$0x11000] =	vst v63  }
0x71: {  	_ =	swait.ge [sflag:s23], $0x4000  }
0x72: {  	[sflag:s23] =	ssyncset.done $0x0  }
0x73: {  	[sflag:s23] =	ssyncadd.s32 $0xFFFFC000  }
0x74: {  	_ =	swait.ge [sflag:s24], $0x4000  }
0x75: {  	[sflag:s24] =	ssyncset.done $0x0  }
0x76: {  	[sflag:s24] =	ssyncadd.s32 $0xFFFFC000  }
0x77: {  	[hbm4b:s9+s4] =	stream.linear.scatter [tilespmem:s17], [sflag:$0x6], $0x4000, $0x38;
	[tilespmem:$0x11000] =	vst v63  }
0x78: {  	_ = 	snop  }
0x79: {  	[hbm4b:s10+s4] =	stream.linear.scatter [tilespmem:s18], [sflag:$0x8], $0x4000, $0x38;
	[tilespmem:$0x11000] =	vst v63  }
0x7a: {  	_ =	swait.ge [sflag:s21], $0x4000  }
0x7b: {  	[sflag:s21] =	ssyncset.done $0x0  }
0x7c: {  	[sflag:s21] =	ssyncadd.s32 $0xFFFFC000  }
0x7d: {  	_ =	swait.ge [sflag:s22], $0x4000  }
0x7e: {  	[sflag:s22] =	ssyncset.done $0x0  }
0x7f: {  	s28 =	sadd.s32 $0x1, s28;
	[sflag:s22] =	ssyncadd.s32 $0xFFFFC000  }
0x80: {  	p0 =	sne.s32 s28, s6;
	_ =	swait.ge [sflag:s25], $0x4000  }
.Ltmp1:
0x81: {  	[sflag:s25] =	ssyncset.done $0x0;
	(pc) =	sbr.rel @p0 .LBB2_1-.Ltmp1, $4  }
0x82: {  	[sflag:s25] =	ssyncadd.s32 $0xFFFFC000  }
0x83: {  	_ =	swait.ge [sflag:s26], $0x4000  }
0x84: {  	[sflag:s26] =	ssyncset.done $0x0  }
0x85: {  	[sflag:s26] =	ssyncadd.s32 $0xFFFFC000  }
0x86: {  	_ =	sfence.sel $0x180000  }
0x87: {  	[bflag:$0x0] =	sbarrier.arrive $0xFFFF  }
0x88: {  	_ =	strace $0x9000004A  }
0x89: {  	s0 =	stileid.u32;
	[bflag:$0x2] =	sbarrier.arrive $0xFFFF  }
0x8a: {  	p0 =	sne.s32 s0, $0x0;
	s0 =	rddreg [dreg:$0x4]  }
0x8b: {  	s0 =	sadd.s32 @!p0 $0x100000, s0  }
0x8c: {  	[sflag:s0] =	ssyncadd.tile.s32 @!p0 $0x1;
	_ =	shalt  }
.Lfunc_end2:
_tile_overlayer_lowered:
.L_overlay_start_2:
0x8d: {  	(tag) =	ssettag $0x2  }
0x8e: {  	s0 =	rddreg [dreg:$0x0];
	s2 =	stileid.u32  }
0x8f: {  	s1 =	rddreg [dreg:$0x1];
	p0 =	sne.s32 s2, $0x0  }
0x90: {  	s3 =	rddreg [dreg:$0x2];
	[bflag:$0x3] =	sbarrier.arrive $0xFFFF;
	s2 =	simm.s32 @!p0 $0x1C09  }
0x91: {  	[timem:s3], [sflag:s2] =	dma.local @!p0 [hbm:s0], s1  }
0x92: {  	s0 =	simm.s32 @!p0 $0x9  }
0x93: {  	_ =	swait.ge @!p0 [sflag:s0], s1  }
0x94: {  	s1 =	ssub.s32 @!p0 $0x0, s1;
	[sflag:s0] =	ssyncset.done @!p0 $0x0  }
0x95: {  	[sflag:s0] =	ssyncadd.s32 @!p0 s1  }
0x96: {  	[bflag:$0x3] =	sbarrier.arrive $0xFFFF  }
0x97: {  	_ =	shalt  }

// kernel: kernel.7.cloned.1.call-start
scs
__scs_entry_jumppad:
0x0: {  	(pc) =	sbr.rel $0x88, $3  }
0x1: {  	(tag) =	ssettag $0x0;
	lr =	simm.s32 $0x1  }
0x2: {  	[smem:$0x3F95] =	sst lr;
	_ =	strace $0xD0000000  }
0x3: {  	_ = 	snop  }
0x4: {  	_ = 	snop  }
0x5: {  	_ = 	snop  }
0x6: {  	_ = 	snop  }
0x7: {  	_ = 	snop  }
__scs_overlays_trampoline_lowered:
0x8: {  	[smem:$0x3FA4] =	sst s0  }
0x9: {  	[smem:$0x3FA5] =	sst s1  }
0xa: {  	[smem:$0x3FA6] =	sst s2  }
0xb: {  	[smem:$0x3FA7] =	sst s3  }
0xc: {  	[smem:$0x3FA8] =	sst s4  }
0xd: {  	[smem:$0x3FA9] =	sst s5  }
0xe: {  	[smem:$0x3FAA] =	sst s6  }
0xf: {  	[smem:$0x3FAB] =	sst s7  }
0x10: {  	[smem:$0x3FAC] =	sst s8  }
0x11: {  	[smem:$0x3FAD] =	sst s9;
	s0 =	simm.s32 @!p0 $0x0  }
0x12: {  	s1 =	sld [smem:$0x3F93];
	s0 =	simm.s32 @p0 $0x1  }
0x13: {  	[smem:$0x3FAE] =	sst s0;
	s0 =	simm.s32 @!p1 $0x0  }
0x14: {  	s2 =	sld [smem:$0x3F92];
	s0 =	simm.s32 @p1 $0x1  }
0x15: {  	[smem:$0x3FAF] =	sst s0;
	s0 =	simm.s32 @!p2 $0x0  }
0x16: {  	s3 =	sld [smem:$0x3FDB];
	s0 =	simm.s32 @p2 $0x1  }
0x17: {  	s4 =	simm.s32 $0x1BF5;
	[smem:$0x3FB1] =	sst s0  }
0x18: {  	s0 =	sld [smem:$0x3F94];
	_ =	swait.ge [sflag:s4], $0x0  }
0x19: {  	s7 =	sld [smem:$0x3F95]  }
0x1a: {  	s8 =	sadd.s32 $0xFFFFE003, lr  }
0x1b: {  	s9 =	sadd.s32 $0xFFFFFEF7, lr;
	s5 =	simm.s32 $0xFFFFFFFF;
	p2 =	slt.u32 s8, $0xFFFFF086  }
0x1c: {  	p1 =	slt.u32 s9, $0xF7A;
	s5 =	simm.s32 @!p2 $0x0  }
0x1d: {  	s5 =	simm.s32 @p1 $0x1;
	p0 =	seq.s32 s7, s2  }
0x1e: {  	s7 =	smul.u32 @!p0 $0xF7A, s2;
	p2 =	seq.s32 @!p0 s5, $0x0  }
0x1f: {  	s9 =	smul.u32 $0xF7A, s1;
	s8 =	simm.s32 @!p0 $0x1BF5;
	p2 =	por !p2, p0  }
0x20: {  	[sflag:s8] =	ssyncset.s32 @!p0 $0xFFFFF086;
	s6 =	sadd.s32 @!p0 s3, s7;
	s7 =	simm.s32 @!p0 $0x108  }
0x21: {  	s3 =	sadd.s32 s3, s9;
	s6 =	sadd.s32 @!p0 $0x88, s6;
	s7 =	simm.s32 @p2 $0x1082  }
0x22: {  	[simem:s7], [sflag:s8] =	dma.local @!p0 [hbm:s6], $0xF7A  }
0x23: {  	s9 =	sor.u32 $0xD0000000, s2;
	s6 =	simm.s32 $0x108;
	_ =	swait.ge @!p0 [sflag:s8], $0x0  }
0x24: {  	s3 =	sadd.s32 $0x88, s3;
	s6 =	simm.s32 @!p1 $0x1082;
	[sflag:s4] =	ssyncset.s32 $0xFFFFF086  }
0x25: {  	[simem:s6], [sflag:s4] =	dma.local [hbm:s3], $0xF7A  }
0x26: {  	[smem:$0x3F95] =	sst s1;
	(tag) =	ssettag s2;
	_ =	strace s9  }
0x27: {  	s1 =	sld [smem:$0x3FA5]  }
0x28: {  	s2 =	sld [smem:$0x3FA6]  }
0x29: {  	s4 =	sld [smem:$0x3FA8]  }
0x2a: {  	p0 =	seq.s32 s5, $0x0;
	s5 =	sld [smem:$0x3FA9]  }
0x2b: {  	s6 =	sld [smem:$0x3FAA]  }
0x2c: {  	s7 =	sld [smem:$0x3FAB]  }
0x2d: {  	s3 =	simm.s32 $0x108;
	s8 =	sld [smem:$0x3FAC]  }
0x2e: {  	s3 =	simm.s32 @!p0 $0x1082;
	s9 =	sld [smem:$0x3FAD]  }
0x2f: {  	lr =	sadd.s32 s0, s3;
	s0 =	sld [smem:$0x3FA4]  }
0x30: {  	s3 =	sld [smem:$0x3FA7]  }
0x31: {  	[smem:$0x3FB0] =	sst s10  }
0x32: {  	s10 =	sld [smem:$0x3FAE];
	_ =	sdelay $0x3  }
0x33: {  	p0 =	seq.s32 s10, $0x1;
	s10 =	sld [smem:$0x3FB0];
	_ =	sdelay $0x3  }
0x34: {  	[smem:$0x3FB0] =	sst s10  }
0x35: {  	s10 =	sld [smem:$0x3FAF];
	_ =	sdelay $0x3  }
0x36: {  	p1 =	seq.s32 s10, $0x1;
	s10 =	sld [smem:$0x3FB0];
	_ =	sdelay $0x3  }
0x37: {  	[smem:$0x3FB0] =	sst s10  }
0x38: {  	s10 =	sld [smem:$0x3FB1]  }
0x39: {  	_ = 	snop;
	(pc) =	sbr.ind lr, $3  }
0x3a: {  	_ = 	snop  }
0x3b: {  	_ = 	snop  }
0x3c: {  	p2 =	seq.s32 s10, $0x1;
	s10 =	sld [smem:$0x3FB0]  }
0x3d: {  	_ =	shalt  }
0x3e: {  	_ =	shalt  }
0x3f: {  	_ =	shalt  }
0x40: {  	_ =	shalt  }
0x41: {  	_ =	shalt  }
0x42: {  	_ =	shalt  }
0x43: {  	_ =	shalt  }
0x44: {  	_ =	shalt  }
0x45: {  	_ =	shalt  }
0x46: {  	_ =	shalt  }
0x47: {  	_ =	shalt  }
0x48: {  	_ =	shalt  }
0x49: {  	_ =	shalt  }
0x4a: {  	_ =	shalt  }
0x4b: {  	_ =	shalt  }
0x4c: {  	_ =	shalt  }
0x4d: {  	_ =	shalt  }
0x4e: {  	_ =	shalt  }
0x4f: {  	_ =	shalt  }
0x50: {  	_ =	shalt  }
0x51: {  	_ =	shalt  }
0x52: {  	_ =	shalt  }
0x53: {  	_ =	shalt  }
0x54: {  	_ =	shalt  }
0x55: {  	_ =	shalt  }
0x56: {  	_ =	shalt  }
0x57: {  	_ =	shalt  }
0x58: {  	_ =	shalt  }
0x59: {  	_ =	shalt  }
0x5a: {  	_ =	shalt  }
0x5b: {  	_ =	shalt  }
0x5c: {  	_ =	shalt  }
0x5d: {  	_ =	shalt  }
0x5e: {  	_ =	shalt  }
0x5f: {  	_ =	shalt  }
0x60: {  	_ =	shalt  }
0x61: {  	_ =	shalt  }
0x62: {  	_ =	shalt  }
0x63: {  	_ =	shalt  }
0x64: {  	_ =	shalt  }
0x65: {  	_ =	shalt  }
0x66: {  	_ =	shalt  }
0x67: {  	_ =	shalt  }
0x68: {  	_ =	shalt  }
0x69: {  	_ =	shalt  }
0x6a: {  	_ =	shalt  }
0x6b: {  	_ =	shalt  }
0x6c: {  	_ =	shalt  }
0x6d: {  	_ =	shalt  }
0x6e: {  	_ =	shalt  }
0x6f: {  	_ =	shalt  }
0x70: {  	_ =	shalt  }
0x71: {  	_ =	shalt  }
0x72: {  	_ =	shalt  }
0x73: {  	_ =	shalt  }
0x74: {  	_ =	shalt  }
0x75: {  	_ =	shalt  }
0x76: {  	_ =	shalt  }
0x77: {  	_ =	shalt  }
0x78: {  	_ =	shalt  }
0x79: {  	_ =	shalt  }
0x7a: {  	_ =	shalt  }
0x7b: {  	_ =	shalt  }
0x7c: {  	_ =	shalt  }
0x7d: {  	_ =	shalt  }
0x7e: {  	_ =	shalt  }
0x7f: {  	_ =	shalt  }
0x80: {  	_ =	shalt  }
0x81: {  	_ =	shalt  }
0x82: {  	_ =	shalt  }
0x83: {  	_ =	shalt  }
0x84: {  	_ =	shalt  }
0x85: {  	_ =	shalt  }
0x86: {  	_ =	shalt  }
0x87: {  	_ =	shalt  }
.Lfunc_end0:
.L_simem_size_0:
called_computation_lowered:
.L_overlay_start_0:
0x88: {  	s2 =	sld [smem:$0x3FD9]  }
0x89: {  	s3 =	sld [smem:$0x3FFE];
	_ =	sdelay $0x1  }
0x8a: {  	s1 =	srdreg.scid  }
0x8b: {  	s0 =	sand.u32 $0x1, s1  }
0x8c: {  	s14 =	sshll.u32 s0, $0xA;
	s2 =	sadd.s32 s3, s2  }
0x8d: {  	s2 =	sadd.s32 s2, s14  }
0x8e: {  	[smem:$0x3FBC] =	sst s2  }
0x8f: {  	_ = 	snop  }
0x90: {  	s2 =	sld [smem:$0x3FD0]  }
0x91: {  	s15 =	sld [smem:$0x3FC7]  }
0x92: {  	s4 =	sld [smem:$0x3FC1]  }
0x93: {  	s6 =	simm.s32 $0xB;
	s7 =	simm.s32 $0x10;
	s5 =	sld [smem:$0x3FC0]  }
0x94: {  	[smem:s7], [sflag:s6] =	dma.local [hbm:s2], $0x1  }
0x95: {  	_ =	swait.eq [sflag:s6], $0x1  }
0x96: {  	[sflag:s6] =	ssyncset.done $0x0  }
0x97: {  	[sflag:s6] =	ssyncadd.s32 $0xFFFFFFFF  }
0x98: {  	s16 =	sld [smem:$0x11];
	(tm) =	ssettm $0x1  }
0x99: {  	s17 =	sld [smem:$0x3FFB];
	_ =	sdelay $0x3  }
0x9a: {  	_ =	strace s17  }
0x9b: {  	s6 =	sld [smem:$0x3FFC];
	_ =	sdelay $0x3  }
0x9c: {  	_ =	strace s6  }
0x9d: {  	s6 =	sld [smem:$0x3FFD];
	_ =	sdelay $0x3  }
0x9e: {  	_ =	strace s6  }
0x9f: {  	_ =	strace $0x8FFFFFFF  }
0xa0: {  	s18 =	sld [smem:$0x3FDB];
	_ =	sdelay $0x1  }
0xa1: {  	s19 =	simm.s32 $_scs_section_size  }
0xa2: {  	s8 =	simm.s32 $_size__tile_overlayer_lowered;
	s9 =	simm.s32 $_tile_overlayer_lowered  }
0xa3: {  	s22 =	simm.s32 $0x1BFF;
	s21 =	sshll.u32 s9, $0x1;
	s6 =	sadd.s32 s19, s18  }
0xa4: {  	s10 =	simm.s32 $0x0;
	s20 =	sshll.u32 s8, $0x1;
	s8 =	sadd.s32 s21, s6  }
0xa5: {  	[timem:s10], [sflag:s22] =	dma.local [hbm:s8], s20  }
0xa6: {  	_ =	swait.ge [sflag:s22], s20  }
0xa7: {  	s7 =	ssub.s32 $0x0, s20;
	[sflag:s22] =	ssyncset.done $0x0  }
0xa8: {  	[sflag:s22] =	ssyncadd.s32 s7;
	_ =	sdelay $0x1  }
0xa9: {  	s23 =	simm.s32 $0x1B8B  }
0xaa: {  	_ =	swait.ge [sflag:s23], $0x1  }
0xab: {  	[sflag:s23] =	ssyncset.done $0x0  }
0xac: {  	s25 =	simm.s32 $0x1B8E;
	s24 =	sld [smem:$0x3FFE];
	[sflag:s23] =	ssyncadd.s32 $0xFFFFFFFF  }
0xad: {  	s26 =	simm.s32 $execute0_lowered;
	[smem:$0x3FD2] =	sst s25  }
0xae: {  	s8 =	sshll.u32 s26, $0x1;
	_ =	strace $0x80000046;
	[dreg:$0x1] =	wrdreg $0xFFFFFFFF  }
0xaf: {  	s28 =	simm.s32 $_size_execute0_lowered;
	s6 =	sadd.s32 s6, s8;
	[dreg:$0x0] =	wrdreg $0x0  }
0xb0: {  	s8 =	sshll.u32 s28, $0x1;
	[dreg:$0x2] =	wrdreg s6  }
0xb1: {  	[dreg:$0x3] =	wrdreg s8  }
0xb2: {  	[dreg:$0x4] =	wrdreg $0xC0  }
0xb3: {  	_ =	task [dreg:s10], $0x5FFFF  }
0xb4: {  	[dreg:$0x1] =	wrdreg $0xFFFFFFFF  }
0xb5: {  	[dreg:$0x0] =	wrdreg $0x60  }
0xb6: {  	[dreg:$0x2] =	wrdreg s4  }
0xb7: {  	[dreg:$0x3] =	wrdreg s5  }
0xb8: {  	[dreg:$0x4] =	wrdreg s15  }
0xb9: {  	[dreg:$0x5] =	wrdreg s16  }
0xba: {  	[dreg:$0x6] =	wrdreg s24  }
0xbb: {  	[dreg:$0x7] =	wrdreg $0x9  }
0xbc: {  	_ =	task.clear_ibuf [dreg:s10], $0x8FFFF;
	_ =	strace $0x90000046  }
0xbd: {  	s29 =	simm.s32 $0x9;
	_ =	strace $0x80000048  }
0xbe: {  	_ =	swait.ge [sflag:s29], $0x1  }
0xbf: {  	[sflag:s29] =	ssyncadd.s32 $0xFFFFFFFF  }
0xc0: {  	_ =	strace $0x90000048  }
0xc1: {  	_ =	sfence  }
0xc2: {  	s30 =	sld [smem:$0x0];
	_ =	sdelay $0x2  }
0xc3: {  	s31 =	sshll.u32 s1, $0xD;
	s1 =	sshrl.u32 s1, $0x2  }
0xc4: {  	s3 =	sand.u32 $0x4000, s31;
	s1 =	sadd.s32 s1, s30  }
0xc5: {  	s0 =	sor.u32 s3, s0;
	s1 =	sshll.u32 s1, $0x11  }
0xc6: {  	s0 =	sor.u32 s1, s0  }
0xc7: {  	s0 =	sadd.s32 $0x8F2B, s0  }
0xc8: {  	[sflag:s0] =	ssyncadd.remote.s32 $0x1  }
0xc9: {  	_ =	sfence.sel $0xFFFF  }
0xca: {  	[dreg:$0x0] =	wrdreg $0xFFFFFFFF;
	(pc) =	sbr.abs _section_cstart, $3  }
0xcb: {  	[dreg:$0x1] =	wrdreg $0xFFFFFFFF  }
0xcc: {  	_ =	task.clear_ibuf [dreg:s10], $0x2FFFF;
	_ =	strace $0x9FFFFFFF  }
0xcd: {  	(tm) =	ssettm $0x7FFFFFFF  }
tec
execute0_lowered:
.L_overlay_start_1:
0x0: {  	(tag) =	ssettag $0x1  }
0x1: {  	s0 =	srdreg.scid  }
0x2: {  	s13 =	sand.u32 $0x1, s0;
	s0 =	stileid.u32  }
0x3: {  	s6 =	sshll.u32 s0, $0x1;
	s7 =	ssub.s32 $0x0, s13  }
0x4: {  	s1 =	rddreg [dreg:$0x0];
	p0 =	sne.s32 s6, s7  }
.Ltmp0:
0x5: {  	s3 =	rddreg [dreg:$0x1];
	(pc) =	sbr.rel @p0 .LBB2_4-.Ltmp0, $4  }
0x6: {  	s4 =	rddreg [dreg:$0x2]  }
0x7: {  	s5 =	rddreg [dreg:$0x3]  }
0x8: {  	s12 =	rddreg [dreg:$0x4]  }
0x9: {  	s2 =	rddreg [dreg:$0x5];
	_ =	strace $0x80000047  }
0xa: {  	s7 =	simm.s32 $0x0;
	s6 =	simm.s32 $0x3  }
0xb: {  	[tilespmem:s7], [sflag:$0x3] =	stream.linear.gather [hbm4b:s4+s7], $0x80, $0x38;
	[tilespmem:$0x8080] =	vst v63  }
0xc: {  	_ =	swait.ge [sflag:s6], $0x80  }
0xd: {  	[sflag:s6] =	ssyncset.done $0x0  }
0xe: {  	s8 =	simm.s32 $0x80;
	[sflag:s6] =	ssyncadd.s32 $0xFFFFFF80  }
0xf: {  	[tilespmem:s8], [sflag:$0x1] =	stream.indirect.gather [hbm4b:s1+s8], $0x80, s7, s8, $0xb8;
	[tilespmem:$0x8080] =	vst v63  }
0x10: {  	s9 =	simm.s32 $0x4080;
	s10 =	simm.s32 $0x1  }
0x11: {  	[tilespmem:s9], [sflag:$0x2] =	stream.indirect.gather [hbm4b:s3+s8], $0x80, s7, s8, $0xb8;
	[tilespmem:$0x8080] =	vst v63  }
0x12: {  	_ =	swait.ge [sflag:s10], $0x4000  }
0x13: {  	[sflag:s10] =	ssyncset.done $0x0  }
0x14: {  	s11 =	simm.s32 $0x2;
	s13 =	ssub.s32 $0x2, s13;
	[sflag:s10] =	ssyncadd.s32 $0xFFFFC000  }
0x15: {  	s14 =	sshrl.u32 s13, $0x1;
	_ =	swait.ge [sflag:s11], $0x4000  }
0x16: {  	s13 =	ssub.s32 s13, s14;
	[sflag:s11] =	ssyncset.done $0x0  }
0x17: {  	s13 =	smax.u32 s13, $0x1;
	[sflag:s11] =	ssyncadd.s32 $0xFFFFC000  }
0x18: {  	[hbm4b:s5+s7] =	stream.linear.scatter [tilespmem:s8], [sflag:$0x3], $0x4000, $0x38;
	[tilespmem:$0x8080] =	vst v63  }
0x19: {  	p0 =	sne.s32 s13, $0x1;
	_ =	swait.ge [sflag:s6], $0x4000  }
.Ltmp1:
0x1a: {  	[sflag:s6] =	ssyncset.done $0x0;
	(pc) =	sbr.rel @!p0 .LBB2_3-.Ltmp1, $4  }
0x1b: {  	s12 =	sadd.s32 $0x2E00, s12;
	[sflag:s6] =	ssyncadd.s32 $0xFFFFC000  }
0x1c: {  	[hbm4b:s12+s7] =	stream.linear.scatter [tilespmem:s9], [sflag:$0x3], $0x4000, $0x38;
	[tilespmem:$0x8080] =	vst v63  }
0x1d: {  	_ =	swait.ge [sflag:s6], $0x4000  }
0x1e: {  	s13 =	sadd.s32 $0xFFFFFFFF, s13;
	[sflag:s6] =	ssyncset.done $0x0  }
.LBB2_2:
0x1f: {  	p0 =	sne.s32 s13, $0x1;
	s13 =	sadd.s32 $0xFFFFFFFF, s13;
	[sflag:s6] =	ssyncadd.s32 $0xFFFFC000  }
0x20: {  	[tilespmem:s7], [sflag:$0x3] =	stream.linear.gather [hbm4b:s4+s7], $0x80, $0x38;
	[tilespmem:$0x8080] =	vst v63  }
0x21: {  	_ =	swait.ge [sflag:s6], $0x80  }
0x22: {  	[sflag:s6] =	ssyncset.done $0x0  }
0x23: {  	[sflag:s6] =	ssyncadd.s32 $0xFFFFFF80  }
0x24: {  	[tilespmem:s8], [sflag:$0x1] =	stream.indirect.gather [hbm4b:s1+s8], $0x80, s7, s8, $0xb8;
	[tilespmem:$0x8080] =	vst v63  }
0x25: {  	_ = 	snop  }
0x26: {  	[tilespmem:s9], [sflag:$0x2] =	stream.indirect.gather [hbm4b:s3+s8], $0x80, s7, s8, $0xb8;
	[tilespmem:$0x8080] =	vst v63  }
0x27: {  	_ =	swait.ge [sflag:s10], $0x4000  }
0x28: {  	[sflag:s10] =	ssyncset.done $0x0  }
0x29: {  	[sflag:s10] =	ssyncadd.s32 $0xFFFFC000  }
0x2a: {  	_ =	swait.ge [sflag:s11], $0x4000  }
0x2b: {  	[sflag:s11] =	ssyncset.done $0x0  }
0x2c: {  	[sflag:s11] =	ssyncadd.s32 $0xFFFFC000  }
0x2d: {  	[hbm4b:s5+s7] =	stream.linear.scatter [tilespmem:s8], [sflag:$0x3], $0x4000, $0x38;
	[tilespmem:$0x8080] =	vst v63  }
0x2e: {  	_ =	swait.ge [sflag:s6], $0x4000  }
.Ltmp2:
0x2f: {  	[sflag:s6] =	ssyncset.done $0x0;
	(pc) =	sbr.rel @p0 .LBB2_2-.Ltmp2, $4  }
0x30: {  	[sflag:s6] =	ssyncadd.s32 $0xFFFFC000  }
0x31: {  	[hbm4b:s12+s7] =	stream.linear.scatter [tilespmem:s9], [sflag:$0x3], $0x4000, $0x38;
	[tilespmem:$0x8080] =	vst v63  }
0x32: {  	_ =	swait.ge [sflag:s6], $0x4000  }
0x33: {  	[sflag:s6] =	ssyncset.done $0x0  }
.LBB2_3:
0x34: {  	[sflag:s6] =	ssyncadd.s32 $0xFFFFC000  }
.LBB2_4:
0x35: {  	_ =	sfence.sel $0x180000  }
0x36: {  	[bflag:$0x0] =	sbarrier.arrive $0xFFFF  }
0x37: {  	p0 =	sne.s32 s0, $0x0;
	_ =	strace $0x90000047  }
0x38: {  	s0 =	sadd.s32 @!p0 $0x100000, s2;
	[bflag:$0x2] =	sbarrier.arrive $0xFFFF  }
0x39: {  	[sflag:s0] =	ssyncadd.tile.s32 @!p0 $0x1;
	_ =	shalt  }
.Lfunc_end2:
_tile_overlayer_lowered:
.L_overlay_start_2:
0x3a: {  	(tag) =	ssettag $0x2  }
0x3b: {  	s0 =	rddreg [dreg:$0x0];
	s2 =	stileid.u32  }
0x3c: {  	s1 =	rddreg [dreg:$0x1];
	p0 =	sne.s32 s2, $0x0  }
0x3d: {  	s3 =	rddreg [dreg:$0x2];
	[bflag:$0x3] =	sbarrier.arrive $0xFFFF;
	s2 =	simm.s32 @!p0 $0x1C03  }
0x3e: {  	[timem:s3], [sflag:s2] =	dma.local @!p0 [hbm:s0], s1  }
0x3f: {  	s0 =	simm.s32 @!p0 $0x3  }
0x40: {  	_ =	swait.ge @!p0 [sflag:s0], s1  }
0x41: {  	s1 =	ssub.s32 @!p0 $0x0, s1;
	[sflag:s0] =	ssyncset.done @!p0 $0x0  }
0x42: {  	[sflag:s0] =	ssyncadd.s32 @!p0 s1  }
0x43: {  	[bflag:$0x3] =	sbarrier.arrive $0xFFFF  }
0x44: {  	_ =	shalt  }

</sc_bundles>
